<compile_context>
chip_gen: v7x
topology: tpu7x:2x2x1
jax: 0.10.2.dev20260603
libtpu: 0.0.44.dev20260713+nightly
codegen_flags: <defaults>
</compile_context>

<pallas_src>
import functools

import jax
import jax.numpy as jnp
from jax import lax
from jax.experimental import pallas as pl
from jax.experimental.pallas import tpu as pltpu
from jax.experimental.pallas import tpu_sc as plsc

VOCAB = 1000
HIDDEN = 64
HPAD = 128
B = 1024
L = 50

NC = 2
NS = 16
NW = NC * NS

LLO = 18
LHI = L - LLO

_mesh = plsc.VectorSubcoreMesh(
    core_axis_name="c", subcore_axis_name="s", num_cores=NC, num_subcores=NS
)


def _make_gather(n_rows, chunk):
    rows_per_w = n_rows // NW
    nchunk = rows_per_w // chunk

    @functools.partial(
        pl.kernel,
        out_type=jax.ShapeDtypeStruct((n_rows, HPAD), jnp.float32),
        mesh=_mesh,
        scratch_types=[
            pltpu.VMEM((rows_per_w,), jnp.int32),
            pltpu.VMEM((chunk, HPAD), jnp.float32),
            pltpu.VMEM((chunk, HPAD), jnp.float32),
            pltpu.SemaphoreType.DMA,
            pltpu.SemaphoreType.DMA,
            pltpu.SemaphoreType.DMA,
            pltpu.SemaphoreType.DMA,
        ],
        compiler_params=pltpu.CompilerParams(use_tc_tiling_on_sc=False),
    )
    def _gather_embs(emb_hbm, idx_hbm, out_hbm, idx_v, buf0, buf1, gs0, gs1, ws0, ws1):
        wid = lax.axis_index("s") * NC + lax.axis_index("c")
        base = pl.multiple_of(wid * rows_per_w, rows_per_w)
        pltpu.sync_copy(idx_hbm.at[pl.ds(base, rows_per_w)], idx_v)

        bufs = (buf0, buf1)
        gsems = (gs0, gs1)
        wsems = (ws0, ws1)
        gather = [None, None]
        write = [None, None]

        gather[0] = pltpu.async_copy(
            emb_hbm.at[idx_v.at[pl.ds(0, chunk)]], bufs[0], gsems[0]
        )
        for i in range(nchunk):
            p = i & 1
            gather[p].wait()
            write[p] = pltpu.async_copy(
                bufs[p], out_hbm.at[pl.ds(base + i * chunk, chunk)], wsems[p]
            )
            if i + 1 < nchunk:
                q = 1 - p
                if write[q] is not None:
                    write[q].wait()
                gather[q] = pltpu.async_copy(
                    emb_hbm.at[idx_v.at[pl.ds((i + 1) * chunk, chunk)]],
                    bufs[q],
                    gsems[q],
                )
        for w in write:
            if w is not None:
                w.wait()

    return _gather_embs


_gather_lo = _make_gather(LLO * B, 288)
_gather_hi = _make_gather(LHI * B, 256)


def _head_body(embs_ref, w_ref, b_ref, out_ref):
    for j in range(embs_ref.shape[0]):
        e = embs_ref[j][:, :HIDDEN]
        acc = lax.dot_general(
            w_ref[...], e, (((1,), (1,)), ((), ())),
            preferred_element_type=jnp.float32,
        )
        out_ref[j] = acc + b_ref[...]


def _head_lo(embs3, head_w, head_b_col):
    return pl.pallas_call(
        _head_body,
        grid=(LLO // 2,),
        in_specs=[
            pl.BlockSpec((2, B, HPAD), lambda l: (l, 0, 0)),
            pl.BlockSpec((VOCAB, HIDDEN), lambda l: (0, 0)),
            pl.BlockSpec((VOCAB, 1), lambda l: (0, 0)),
        ],
        out_specs=pl.BlockSpec((2, VOCAB, B), lambda l: (l, 0, 0)),
        out_shape=jax.ShapeDtypeStruct((L, VOCAB, B), jnp.float32),
    )(embs3, head_w, head_b_col)


def _head_hi_body(prev_ref, embs_ref, w_ref, b_ref, out_ref):
    del prev_ref
    _head_body(embs_ref, w_ref, b_ref, out_ref)


def _head_hi(prev, embs3, head_w, head_b_col):
    return pl.pallas_call(
        _head_hi_body,
        grid=(LHI // 2,),
        in_specs=[
            pl.BlockSpec(memory_space=pl.ANY),
            pl.BlockSpec((2, B, HPAD), lambda l: (l, 0, 0)),
            pl.BlockSpec((VOCAB, HIDDEN), lambda l: (0, 0)),
            pl.BlockSpec((VOCAB, 1), lambda l: (0, 0)),
        ],
        out_specs=pl.BlockSpec((2, VOCAB, B), lambda l: (l + LLO // 2, 0, 0)),
        out_shape=jax.ShapeDtypeStruct((L, VOCAB, B), jnp.float32),
        input_output_aliases={0: 0},
    )(prev, embs3, head_w, head_b_col)


def kernel(input_ids, emb_table, head_w, head_b):
    emb128 = jnp.pad(emb_table, ((0, 0), (0, HPAD - HIDDEN)))
    ids_t = input_ids.astype(jnp.int32).T
    idx_lo = ids_t[:LLO].reshape(-1)
    idx_hi = ids_t[LLO:].reshape(-1)
    embs_lo = _gather_lo(emb128, idx_lo).reshape(LLO, B, HPAD)
    embs_hi = _gather_hi(emb128, idx_hi).reshape(LHI, B, HPAD)
    head_b_col = head_b.reshape(VOCAB, 1)
    planes = _head_lo(embs_lo, head_w, head_b_col)
    planes = _head_hi(planes, embs_hi, head_w, head_b_col)
    return jnp.transpose(planes, (2, 0, 1))

# --- scband reference (transcript-rebuilt; emitter-appended) ---
"""Pipeline reference for scband-simple-policy-24661702214230 (READ-ONLY COPY).

The authoritative reference and input builder live on the scoring server;
editing this copy changes nothing except your own understanding.
"""

import jax, jax.numpy as jnp
import numpy as np

VOCAB = 1000
HIDDEN = 64
B = 1024
L = 50


def setup_inputs(seed: int = 0) -> dict:
    key = jax.random.key(seed)
    k1, k2, k3, k4 = jax.random.split(key, 4)
    input_ids = jax.random.randint(k1, (B, L), 0, VOCAB, dtype=jnp.int64)
    emb_table = jax.random.normal(k2, (VOCAB, HIDDEN), dtype=jnp.float32)
    # torch nn.Linear: weight [out_features, in_features], bias [out_features]
    head_w = jax.random.normal(k3, (VOCAB, HIDDEN), dtype=jnp.float32) * (1.0 / np.sqrt(HIDDEN))
    head_b = jax.random.normal(k4, (VOCAB,), dtype=jnp.float32) * 0.01
    return {"input_ids": input_ids, "emb_table": emb_table, "head_w": head_w, "head_b": head_b}


def reference(input_ids, emb_table, head_w, head_b):
    # embedding lookup (gather)
    embeds = jnp.take(emb_table, input_ids, axis=0)  # [B, L, HIDDEN]
    # linear head: x @ W.T + b
    logits = jnp.einsum("blh,vh->blv", embeds, head_w) + head_b
    return logits

if __name__ == "__main__":
    import jax
    _d = setup_inputs()
    print(jax.jit(kernel)(*tuple(_d.values())))

</pallas_src>

<mosaic_0001>
#map = affine_map<(d0, d1) -> (0, 0)>
#map1 = affine_map<(d0, d1) -> (0)>
module attributes {stable_mosaic.version = 14 : i64} {
  func.func @_gather_embs(%arg0: i32, %arg1: i32, %arg2: memref<1000x128xf32, #tpu.memory_space<hbm>>, %arg3: memref<32768xi32, #tpu.memory_space<hbm>>, %arg4: memref<32768x128xf32, #tpu.memory_space<hbm>>, %arg5: memref<1024xi32, #tpu.memory_space<vmem>>, %arg6: memref<256x128xf32, #tpu.memory_space<vmem>>, %arg7: memref<256x128xf32, #tpu.memory_space<vmem>>, %arg8: memref<!tpu.dma_semaphore, #tpu.memory_space<semaphore_mem>>, %arg9: memref<!tpu.dma_semaphore, #tpu.memory_space<semaphore_mem>>, %arg10: memref<!tpu.dma_semaphore, #tpu.memory_space<semaphore_mem>>, %arg11: memref<!tpu.dma_semaphore, #tpu.memory_space<semaphore_mem>>) attributes {dimension_semantics = [#tpu.dimension_semantics<core_parallel>, #tpu.dimension_semantics<subcore_parallel>], iteration_bounds = array<i64: 2, 16>, scalar_prefetch = 0 : i64, scratch_operands = 7 : i64, tpu.core_type = #tpu.core_type<sc_vector_subcore>, window_params = [{transform_indices = #map}, {transform_indices = #map1}, {transform_indices = #map}]} {
    %mul3A = arith.constant 2 : i32
    %mul3A_0 = arith.muli %arg1, %mul3A : i32
    %add3A = arith.addi %mul3A_0, %arg0 : i32
    %mul3A_1 = arith.constant 1024 : i32
    %mul3A_2 = arith.muli %add3A, %mul3A_1 : i32
    %multiple_of3A = tpu.assume_multiple %mul3A_2, 1024 : i32
    "tpu.region"() ({
      %run_scoped3A = tpu.sem_alloc : memref<!tpu.dma_semaphore, #tpu.memory_space<semaphore_mem>>
      %dma_start3A_81 = tpu.memref_slice %arg3[%multiple_of3A] : memref<32768xi32, #tpu.memory_space<hbm>> -> memref<1024xi32, #tpu.memory_space<hbm>>
      %dma_start3A_82 = tpu.memref_slice %arg3[%multiple_of3A] : memref<32768xi32, #tpu.memory_space<hbm>> -> memref<1024xi32, #tpu.memory_space<hbm>>
      tpu.enqueue_dma source(%dma_start3A_82 : memref<1024xi32, #tpu.memory_space<hbm>>) target(%arg5 : memref<1024xi32, #tpu.memory_space<vmem>>) target_semaphore(%run_scoped3A : memref<!tpu.dma_semaphore, #tpu.memory_space<semaphore_mem>>)
      %dma_wait3A_83 = tpu.memref_slice %arg3[%multiple_of3A] : memref<32768xi32, #tpu.memory_space<hbm>> -> memref<1024xi32, #tpu.memory_space<hbm>>
      %dma_wait3A_84 = tpu.memref_slice %arg3[%multiple_of3A] : memref<32768xi32, #tpu.memory_space<hbm>> -> memref<1024xi32, #tpu.memory_space<hbm>>
      tpu.wait_dma2 semaphore(%run_scoped3A : memref<!tpu.dma_semaphore, #tpu.memory_space<semaphore_mem>>) src(%dma_wait3A_84 : memref<1024xi32, #tpu.memory_space<hbm>>) dst(%arg5 : memref<1024xi32, #tpu.memory_space<vmem>>)
      tpu.yield
    }) : () -> ()
    %dma_start3A = arith.constant 0 : i32
    %dma_start3A_3 = tpu.memref_slice %arg5[%dma_start3A] : memref<1024xi32, #tpu.memory_space<vmem>> -> memref<256xi32, #tpu.memory_space<vmem>>
    %dma_start3A_4 = arith.constant 0 : i32
    %dma_start3A_5 = arith.constant 0 : i32
    %dma_start3A_6 = tpu.memref_slice %arg2[%dma_start3A_4, %dma_start3A_5] : memref<1000x128xf32, #tpu.memory_space<hbm>> -> memref<1000x128xf32, #tpu.memory_space<hbm>>
    tpu.enqueue_indirect_dma source(%dma_start3A_6 : memref<1000x128xf32, #tpu.memory_space<hbm>>) target(%arg6 : memref<256x128xf32, #tpu.memory_space<vmem>>) offsets(%dma_start3A_3 : memref<256xi32, #tpu.memory_space<vmem>>) semaphore(%arg8 : memref<!tpu.dma_semaphore, #tpu.memory_space<semaphore_mem>>)
    %dma_wait3A = arith.constant 0 : i32
    %dma_wait3A_7 = tpu.memref_slice %arg5[%dma_wait3A] : memref<1024xi32, #tpu.memory_space<vmem>> -> memref<256xi32, #tpu.memory_space<vmem>>
    %dma_wait3A_8 = arith.constant 0 : i32
    %dma_wait3A_9 = arith.constant 0 : i32
    %dma_wait3A_10 = tpu.memref_slice %arg2[%dma_wait3A_8, %dma_wait3A_9] : memref<1000x128xf32, #tpu.memory_space<hbm>> -> memref<1000x128xf32, #tpu.memory_space<hbm>>
    tpu.wait_indirect_dma semaphore(%arg8 : memref<!tpu.dma_semaphore, #tpu.memory_space<semaphore_mem>>) src(%dma_wait3A_10 : memref<1000x128xf32, #tpu.memory_space<hbm>>) dst(%arg6 : memref<256x128xf32, #tpu.memory_space<vmem>>)
    %add3A_11 = arith.constant 0 : i32
    %add3A_12 = arith.addi %multiple_of3A, %add3A_11 : i32
    %dma_start3A_13 = arith.constant 0 : i32
    %dma_start3A_14 = tpu.memref_slice %arg4[%add3A_12, %dma_start3A_13] : memref<32768x128xf32, #tpu.memory_space<hbm>> -> memref<256x128xf32, #tpu.memory_space<hbm>>
    %dma_start3A_15 = arith.constant 0 : i32
    %dma_start3A_16 = tpu.memref_slice %arg4[%add3A_12, %dma_start3A_15] : memref<32768x128xf32, #tpu.memory_space<hbm>> -> memref<256x128xf32, #tpu.memory_space<hbm>>
    tpu.enqueue_dma source(%arg6 : memref<256x128xf32, #tpu.memory_space<vmem>>) target(%dma_start3A_16 : memref<256x128xf32, #tpu.memory_space<hbm>>) target_semaphore(%arg10 : memref<!tpu.dma_semaphore, #tpu.memory_space<semaphore_mem>>)
    %dma_start3A_17 = arith.constant 256 : i32
    %dma_start3A_18 = tpu.memref_slice %arg5[%dma_start3A_17] : memref<1024xi32, #tpu.memory_space<vmem>> -> memref<256xi32, #tpu.memory_space<vmem>>
    %dma_start3A_19 = arith.constant 0 : i32
    %dma_start3A_20 = arith.constant 0 : i32
    %dma_start3A_21 = tpu.memref_slice %arg2[%dma_start3A_19, %dma_start3A_20] : memref<1000x128xf32, #tpu.memory_space<hbm>> -> memref<1000x128xf32, #tpu.memory_space<hbm>>
    tpu.enqueue_indirect_dma source(%dma_start3A_21 : memref<1000x128xf32, #tpu.memory_space<hbm>>) target(%arg7 : memref<256x128xf32, #tpu.memory_space<vmem>>) offsets(%dma_start3A_18 : memref<256xi32, #tpu.memory_space<vmem>>) semaphore(%arg9 : memref<!tpu.dma_semaphore, #tpu.memory_space<semaphore_mem>>)
    %dma_wait3A_22 = arith.constant 256 : i32
    %dma_wait3A_23 = tpu.memref_slice %arg5[%dma_wait3A_22] : memref<1024xi32, #tpu.memory_space<vmem>> -> memref<256xi32, #tpu.memory_space<vmem>>
    %dma_wait3A_24 = arith.constant 0 : i32
    %dma_wait3A_25 = arith.constant 0 : i32
    %dma_wait3A_26 = tpu.memref_slice %arg2[%dma_wait3A_24, %dma_wait3A_25] : memref<1000x128xf32, #tpu.memory_space<hbm>> -> memref<1000x128xf32, #tpu.memory_space<hbm>>
    tpu.wait_indirect_dma semaphore(%arg9 : memref<!tpu.dma_semaphore, #tpu.memory_space<semaphore_mem>>) src(%dma_wait3A_26 : memref<1000x128xf32, #tpu.memory_space<hbm>>) dst(%arg7 : memref<256x128xf32, #tpu.memory_space<vmem>>)
    %add3A_27 = arith.constant 256 : i32
    %add3A_28 = arith.addi %multiple_of3A, %add3A_27 : i32
    %dma_start3A_29 = arith.constant 0 : i32
    %dma_start3A_30 = tpu.memref_slice %arg4[%add3A_28, %dma_start3A_29] : memref<32768x128xf32, #tpu.memory_space<hbm>> -> memref<256x128xf32, #tpu.memory_space<hbm>>
    %dma_start3A_31 = arith.constant 0 : i32
    %dma_start3A_32 = tpu.memref_slice %arg4[%add3A_28, %dma_start3A_31] : memref<32768x128xf32, #tpu.memory_space<hbm>> -> memref<256x128xf32, #tpu.memory_space<hbm>>
    tpu.enqueue_dma source(%arg7 : memref<256x128xf32, #tpu.memory_space<vmem>>) target(%dma_start3A_32 : memref<256x128xf32, #tpu.memory_space<hbm>>) target_semaphore(%arg11 : memref<!tpu.dma_semaphore, #tpu.memory_space<semaphore_mem>>)
    %dma_wait3A_33 = arith.constant 0 : i32
    %dma_wait3A_34 = tpu.memref_slice %arg4[%add3A_12, %dma_wait3A_33] : memref<32768x128xf32, #tpu.memory_space<hbm>> -> memref<256x128xf32, #tpu.memory_space<hbm>>
    %dma_wait3A_35 = arith.constant 0 : i32
    %dma_wait3A_36 = tpu.memref_slice %arg4[%add3A_12, %dma_wait3A_35] : memref<32768x128xf32, #tpu.memory_space<hbm>> -> memref<256x128xf32, #tpu.memory_space<hbm>>
    tpu.wait_dma2 semaphore(%arg10 : memref<!tpu.dma_semaphore, #tpu.memory_space<semaphore_mem>>) src(%arg6 : memref<256x128xf32, #tpu.memory_space<vmem>>) dst(%dma_wait3A_36 : memref<256x128xf32, #tpu.memory_space<hbm>>)
    %dma_start3A_37 = arith.constant 512 : i32
    %dma_start3A_38 = tpu.memref_slice %arg5[%dma_start3A_37] : memref<1024xi32, #tpu.memory_space<vmem>> -> memref<256xi32, #tpu.memory_space<vmem>>
    %dma_start3A_39 = arith.constant 0 : i32
    %dma_start3A_40 = arith.constant 0 : i32
    %dma_start3A_41 = tpu.memref_slice %arg2[%dma_start3A_39, %dma_start3A_40] : memref<1000x128xf32, #tpu.memory_space<hbm>> -> memref<1000x128xf32, #tpu.memory_space<hbm>>
    tpu.enqueue_indirect_dma source(%dma_start3A_41 : memref<1000x128xf32, #tpu.memory_space<hbm>>) target(%arg6 : memref<256x128xf32, #tpu.memory_space<vmem>>) offsets(%dma_start3A_38 : memref<256xi32, #tpu.memory_space<vmem>>) semaphore(%arg8 : memref<!tpu.dma_semaphore, #tpu.memory_space<semaphore_mem>>)
    %dma_wait3A_42 = arith.constant 512 : i32
    %dma_wait3A_43 = tpu.memref_slice %arg5[%dma_wait3A_42] : memref<1024xi32, #tpu.memory_space<vmem>> -> memref<256xi32, #tpu.memory_space<vmem>>
    %dma_wait3A_44 = arith.constant 0 : i32
    %dma_wait3A_45 = arith.constant 0 : i32
    %dma_wait3A_46 = tpu.memref_slice %arg2[%dma_wait3A_44, %dma_wait3A_45] : memref<1000x128xf32, #tpu.memory_space<hbm>> -> memref<1000x128xf32, #tpu.memory_space<hbm>>
    tpu.wait_indirect_dma semaphore(%arg8 : memref<!tpu.dma_semaphore, #tpu.memory_space<semaphore_mem>>) src(%dma_wait3A_46 : memref<1000x128xf32, #tpu.memory_space<hbm>>) dst(%arg6 : memref<256x128xf32, #tpu.memory_space<vmem>>)
    %add3A_47 = arith.constant 512 : i32
    %add3A_48 = arith.addi %multiple_of3A, %add3A_47 : i32
    %dma_start3A_49 = arith.constant 0 : i32
    %dma_start3A_50 = tpu.memref_slice %arg4[%add3A_48, %dma_start3A_49] : memref<32768x128xf32, #tpu.memory_space<hbm>> -> memref<256x128xf32, #tpu.memory_space<hbm>>
    %dma_start3A_51 = arith.constant 0 : i32
    %dma_start3A_52 = tpu.memref_slice %arg4[%add3A_48, %dma_start3A_51] : memref<32768x128xf32, #tpu.memory_space<hbm>> -> memref<256x128xf32, #tpu.memory_space<hbm>>
    tpu.enqueue_dma source(%arg6 : memref<256x128xf32, #tpu.memory_space<vmem>>) target(%dma_start3A_52 : memref<256x128xf32, #tpu.memory_space<hbm>>) target_semaphore(%arg10 : memref<!tpu.dma_semaphore, #tpu.memory_space<semaphore_mem>>)
    %dma_wait3A_53 = arith.constant 0 : i32
    %dma_wait3A_54 = tpu.memref_slice %arg4[%add3A_28, %dma_wait3A_53] : memref<32768x128xf32, #tpu.memory_space<hbm>> -> memref<256x128xf32, #tpu.memory_space<hbm>>
    %dma_wait3A_55 = arith.constant 0 : i32
    %dma_wait3A_56 = tpu.memref_slice %arg4[%add3A_28, %dma_wait3A_55] : memref<32768x128xf32, #tpu.memory_space<hbm>> -> memref<256x128xf32, #tpu.memory_space<hbm>>
    tpu.wait_dma2 semaphore(%arg11 : memref<!tpu.dma_semaphore, #tpu.memory_space<semaphore_mem>>) src(%arg7 : memref<256x128xf32, #tpu.memory_space<vmem>>) dst(%dma_wait3A_56 : memref<256x128xf32, #tpu.memory_space<hbm>>)
    %dma_start3A_57 = arith.constant 768 : i32
    %dma_start3A_58 = tpu.memref_slice %arg5[%dma_start3A_57] : memref<1024xi32, #tpu.memory_space<vmem>> -> memref<256xi32, #tpu.memory_space<vmem>>
    %dma_start3A_59 = arith.constant 0 : i32
    %dma_start3A_60 = arith.constant 0 : i32
    %dma_start3A_61 = tpu.memref_slice %arg2[%dma_start3A_59, %dma_start3A_60] : memref<1000x128xf32, #tpu.memory_space<hbm>> -> memref<1000x128xf32, #tpu.memory_space<hbm>>
    tpu.enqueue_indirect_dma source(%dma_start3A_61 : memref<1000x128xf32, #tpu.memory_space<hbm>>) target(%arg7 : memref<256x128xf32, #tpu.memory_space<vmem>>) offsets(%dma_start3A_58 : memref<256xi32, #tpu.memory_space<vmem>>) semaphore(%arg9 : memref<!tpu.dma_semaphore, #tpu.memory_space<semaphore_mem>>)
    %dma_wait3A_62 = arith.constant 768 : i32
    %dma_wait3A_63 = tpu.memref_slice %arg5[%dma_wait3A_62] : memref<1024xi32, #tpu.memory_space<vmem>> -> memref<256xi32, #tpu.memory_space<vmem>>
    %dma_wait3A_64 = arith.constant 0 : i32
    %dma_wait3A_65 = arith.constant 0 : i32
    %dma_wait3A_66 = tpu.memref_slice %arg2[%dma_wait3A_64, %dma_wait3A_65] : memref<1000x128xf32, #tpu.memory_space<hbm>> -> memref<1000x128xf32, #tpu.memory_space<hbm>>
    tpu.wait_indirect_dma semaphore(%arg9 : memref<!tpu.dma_semaphore, #tpu.memory_space<semaphore_mem>>) src(%dma_wait3A_66 : memref<1000x128xf32, #tpu.memory_space<hbm>>) dst(%arg7 : memref<256x128xf32, #tpu.memory_space<vmem>>)
    %add3A_67 = arith.constant 768 : i32
    %add3A_68 = arith.addi %multiple_of3A, %add3A_67 : i32
    %dma_start3A_69 = arith.constant 0 : i32
    %dma_start3A_70 = tpu.memref_slice %arg4[%add3A_68, %dma_start3A_69] : memref<32768x128xf32, #tpu.memory_space<hbm>> -> memref<256x128xf32, #tpu.memory_space<hbm>>
    %dma_start3A_71 = arith.constant 0 : i32
    %dma_start3A_72 = tpu.memref_slice %arg4[%add3A_68, %dma_start3A_71] : memref<32768x128xf32, #tpu.memory_space<hbm>> -> memref<256x128xf32, #tpu.memory_space<hbm>>
    tpu.enqueue_dma source(%arg7 : memref<256x128xf32, #tpu.memory_space<vmem>>) target(%dma_start3A_72 : memref<256x128xf32, #tpu.memory_space<hbm>>) target_semaphore(%arg11 : memref<!tpu.dma_semaphore, #tpu.memory_space<semaphore_mem>>)
    %dma_wait3A_73 = arith.constant 0 : i32
    %dma_wait3A_74 = tpu.memref_slice %arg4[%add3A_48, %dma_wait3A_73] : memref<32768x128xf32, #tpu.memory_space<hbm>> -> memref<256x128xf32, #tpu.memory_space<hbm>>
    %dma_wait3A_75 = arith.constant 0 : i32
    %dma_wait3A_76 = tpu.memref_slice %arg4[%add3A_48, %dma_wait3A_75] : memref<32768x128xf32, #tpu.memory_space<hbm>> -> memref<256x128xf32, #tpu.memory_space<hbm>>
    tpu.wait_dma2 semaphore(%arg10 : memref<!tpu.dma_semaphore, #tpu.memory_space<semaphore_mem>>) src(%arg6 : memref<256x128xf32, #tpu.memory_space<vmem>>) dst(%dma_wait3A_76 : memref<256x128xf32, #tpu.memory_space<hbm>>)
    %dma_wait3A_77 = arith.constant 0 : i32
    %dma_wait3A_78 = tpu.memref_slice %arg4[%add3A_68, %dma_wait3A_77] : memref<32768x128xf32, #tpu.memory_space<hbm>> -> memref<256x128xf32, #tpu.memory_space<hbm>>
    %dma_wait3A_79 = arith.constant 0 : i32
    %dma_wait3A_80 = tpu.memref_slice %arg4[%add3A_68, %dma_wait3A_79] : memref<32768x128xf32, #tpu.memory_space<hbm>> -> memref<256x128xf32, #tpu.memory_space<hbm>>
    tpu.wait_dma2 semaphore(%arg11 : memref<!tpu.dma_semaphore, #tpu.memory_space<semaphore_mem>>) src(%arg7 : memref<256x128xf32, #tpu.memory_space<vmem>>) dst(%dma_wait3A_80 : memref<256x128xf32, #tpu.memory_space<hbm>>)
    return
  }
}

#map = affine_map<(d0, d1) -> (0, 0)>
#map1 = affine_map<(d0, d1) -> (0)>
module attributes {stable_mosaic.version = 14 : i64} {
  func.func @_gather_embs(%arg0: i32, %arg1: i32, %arg2: memref<1000x128xf32, #tpu.memory_space<hbm>>, %arg3: memref<18432xi32, #tpu.memory_space<hbm>>, %arg4: memref<18432x128xf32, #tpu.memory_space<hbm>>, %arg5: memref<576xi32, #tpu.memory_space<vmem>>, %arg6: memref<288x128xf32, #tpu.memory_space<vmem>>, %arg7: memref<288x128xf32, #tpu.memory_space<vmem>>, %arg8: memref<!tpu.dma_semaphore, #tpu.memory_space<semaphore_mem>>, %arg9: memref<!tpu.dma_semaphore, #tpu.memory_space<semaphore_mem>>, %arg10: memref<!tpu.dma_semaphore, #tpu.memory_space<semaphore_mem>>, %arg11: memref<!tpu.dma_semaphore, #tpu.memory_space<semaphore_mem>>) attributes {dimension_semantics = [#tpu.dimension_semantics<core_parallel>, #tpu.dimension_semantics<subcore_parallel>], iteration_bounds = array<i64: 2, 16>, scalar_prefetch = 0 : i64, scratch_operands = 7 : i64, tpu.core_type = #tpu.core_type<sc_vector_subcore>, window_params = [{transform_indices = #map}, {transform_indices = #map1}, {transform_indices = #map}]} {
    %mul3A = arith.constant 2 : i32
    %mul3A_0 = arith.muli %arg1, %mul3A : i32
    %add3A = arith.addi %mul3A_0, %arg0 : i32
    %mul3A_1 = arith.constant 576 : i32
    %mul3A_2 = arith.muli %add3A, %mul3A_1 : i32
    %multiple_of3A = tpu.assume_multiple %mul3A_2, 576 : i32
    "tpu.region"() ({
      %run_scoped3A = tpu.sem_alloc : memref<!tpu.dma_semaphore, #tpu.memory_space<semaphore_mem>>
      %dma_start3A_41 = tpu.memref_slice %arg3[%multiple_of3A] : memref<18432xi32, #tpu.memory_space<hbm>> -> memref<576xi32, #tpu.memory_space<hbm>>
      %dma_start3A_42 = tpu.memref_slice %arg3[%multiple_of3A] : memref<18432xi32, #tpu.memory_space<hbm>> -> memref<576xi32, #tpu.memory_space<hbm>>
      tpu.enqueue_dma source(%dma_start3A_42 : memref<576xi32, #tpu.memory_space<hbm>>) target(%arg5 : memref<576xi32, #tpu.memory_space<vmem>>) target_semaphore(%run_scoped3A : memref<!tpu.dma_semaphore, #tpu.memory_space<semaphore_mem>>)
      %dma_wait3A_43 = tpu.memref_slice %arg3[%multiple_of3A] : memref<18432xi32, #tpu.memory_space<hbm>> -> memref<576xi32, #tpu.memory_space<hbm>>
      %dma_wait3A_44 = tpu.memref_slice %arg3[%multiple_of3A] : memref<18432xi32, #tpu.memory_space<hbm>> -> memref<576xi32, #tpu.memory_space<hbm>>
      tpu.wait_dma2 semaphore(%run_scoped3A : memref<!tpu.dma_semaphore, #tpu.memory_space<semaphore_mem>>) src(%dma_wait3A_44 : memref<576xi32, #tpu.memory_space<hbm>>) dst(%arg5 : memref<576xi32, #tpu.memory_space<vmem>>)
      tpu.yield
    }) : () -> ()
    %dma_start3A = arith.constant 0 : i32
    %dma_start3A_3 = tpu.memref_slice %arg5[%dma_start3A] : memref<576xi32, #tpu.memory_space<vmem>> -> memref<288xi32, #tpu.memory_space<vmem>>
    %dma_start3A_4 = arith.constant 0 : i32
    %dma_start3A_5 = arith.constant 0 : i32
    %dma_start3A_6 = tpu.memref_slice %arg2[%dma_start3A_4, %dma_start3A_5] : memref<1000x128xf32, #tpu.memory_space<hbm>> -> memref<1000x128xf32, #tpu.memory_space<hbm>>
    tpu.enqueue_indirect_dma source(%dma_start3A_6 : memref<1000x128xf32, #tpu.memory_space<hbm>>) target(%arg6 : memref<288x128xf32, #tpu.memory_space<vmem>>) offsets(%dma_start3A_3 : memref<288xi32, #tpu.memory_space<vmem>>) semaphore(%arg8 : memref<!tpu.dma_semaphore, #tpu.memory_space<semaphore_mem>>)
    %dma_wait3A = arith.constant 0 : i32
    %dma_wait3A_7 = tpu.memref_slice %arg5[%dma_wait3A] : memref<576xi32, #tpu.memory_space<vmem>> -> memref<288xi32, #tpu.memory_space<vmem>>
    %dma_wait3A_8 = arith.constant 0 : i32
    %dma_wait3A_9 = arith.constant 0 : i32
    %dma_wait3A_10 = tpu.memref_slice %arg2[%dma_wait3A_8, %dma_wait3A_9] : memref<1000x128xf32, #tpu.memory_space<hbm>> -> memref<1000x128xf32, #tpu.memory_space<hbm>>
    tpu.wait_indirect_dma semaphore(%arg8 : memref<!tpu.dma_semaphore, #tpu.memory_space<semaphore_mem>>) src(%dma_wait3A_10 : memref<1000x128xf32, #tpu.memory_space<hbm>>) dst(%arg6 : memref<288x128xf32, #tpu.memory_space<vmem>>)
    %add3A_11 = arith.constant 0 : i32
    %add3A_12 = arith.addi %multiple_of3A, %add3A_11 : i32
    %dma_start3A_13 = arith.constant 0 : i32
    %dma_start3A_14 = tpu.memref_slice %arg4[%add3A_12, %dma_start3A_13] : memref<18432x128xf32, #tpu.memory_space<hbm>> -> memref<288x128xf32, #tpu.memory_space<hbm>>
    %dma_start3A_15 = arith.constant 0 : i32
    %dma_start3A_16 = tpu.memref_slice %arg4[%add3A_12, %dma_start3A_15] : memref<18432x128xf32, #tpu.memory_space<hbm>> -> memref<288x128xf32, #tpu.memory_space<hbm>>
    tpu.enqueue_dma source(%arg6 : memref<288x128xf32, #tpu.memory_space<vmem>>) target(%dma_start3A_16 : memref<288x128xf32, #tpu.memory_space<hbm>>) target_semaphore(%arg10 : memref<!tpu.dma_semaphore, #tpu.memory_space<semaphore_mem>>)
    %dma_start3A_17 = arith.constant 288 : i32
    %dma_start3A_18 = tpu.memref_slice %arg5[%dma_start3A_17] : memref<576xi32, #tpu.memory_space<vmem>> -> memref<288xi32, #tpu.memory_space<vmem>>
    %dma_start3A_19 = arith.constant 0 : i32
    %dma_start3A_20 = arith.constant 0 : i32
    %dma_start3A_21 = tpu.memref_slice %arg2[%dma_start3A_19, %dma_start3A_20] : memref<1000x128xf32, #tpu.memory_space<hbm>> -> memref<1000x128xf32, #tpu.memory_space<hbm>>
    tpu.enqueue_indirect_dma source(%dma_start3A_21 : memref<1000x128xf32, #tpu.memory_space<hbm>>) target(%arg7 : memref<288x128xf32, #tpu.memory_space<vmem>>) offsets(%dma_start3A_18 : memref<288xi32, #tpu.memory_space<vmem>>) semaphore(%arg9 : memref<!tpu.dma_semaphore, #tpu.memory_space<semaphore_mem>>)
    %dma_wait3A_22 = arith.constant 288 : i32
    %dma_wait3A_23 = tpu.memref_slice %arg5[%dma_wait3A_22] : memref<576xi32, #tpu.memory_space<vmem>> -> memref<288xi32, #tpu.memory_space<vmem>>
    %dma_wait3A_24 = arith.constant 0 : i32
    %dma_wait3A_25 = arith.constant 0 : i32
    %dma_wait3A_26 = tpu.memref_slice %arg2[%dma_wait3A_24, %dma_wait3A_25] : memref<1000x128xf32, #tpu.memory_space<hbm>> -> memref<1000x128xf32, #tpu.memory_space<hbm>>
    tpu.wait_indirect_dma semaphore(%arg9 : memref<!tpu.dma_semaphore, #tpu.memory_space<semaphore_mem>>) src(%dma_wait3A_26 : memref<1000x128xf32, #tpu.memory_space<hbm>>) dst(%arg7 : memref<288x128xf32, #tpu.memory_space<vmem>>)
    %add3A_27 = arith.constant 288 : i32
    %add3A_28 = arith.addi %multiple_of3A, %add3A_27 : i32
    %dma_start3A_29 = arith.constant 0 : i32
    %dma_start3A_30 = tpu.memref_slice %arg4[%add3A_28, %dma_start3A_29] : memref<18432x128xf32, #tpu.memory_space<hbm>> -> memref<288x128xf32, #tpu.memory_space<hbm>>
    %dma_start3A_31 = arith.constant 0 : i32
    %dma_start3A_32 = tpu.memref_slice %arg4[%add3A_28, %dma_start3A_31] : memref<18432x128xf32, #tpu.memory_space<hbm>> -> memref<288x128xf32, #tpu.memory_space<hbm>>
    tpu.enqueue_dma source(%arg7 : memref<288x128xf32, #tpu.memory_space<vmem>>) target(%dma_start3A_32 : memref<288x128xf32, #tpu.memory_space<hbm>>) target_semaphore(%arg11 : memref<!tpu.dma_semaphore, #tpu.memory_space<semaphore_mem>>)
    %dma_wait3A_33 = arith.constant 0 : i32
    %dma_wait3A_34 = tpu.memref_slice %arg4[%add3A_12, %dma_wait3A_33] : memref<18432x128xf32, #tpu.memory_space<hbm>> -> memref<288x128xf32, #tpu.memory_space<hbm>>
    %dma_wait3A_35 = arith.constant 0 : i32
    %dma_wait3A_36 = tpu.memref_slice %arg4[%add3A_12, %dma_wait3A_35] : memref<18432x128xf32, #tpu.memory_space<hbm>> -> memref<288x128xf32, #tpu.memory_space<hbm>>
    tpu.wait_dma2 semaphore(%arg10 : memref<!tpu.dma_semaphore, #tpu.memory_space<semaphore_mem>>) src(%arg6 : memref<288x128xf32, #tpu.memory_space<vmem>>) dst(%dma_wait3A_36 : memref<288x128xf32, #tpu.memory_space<hbm>>)
    %dma_wait3A_37 = arith.constant 0 : i32
    %dma_wait3A_38 = tpu.memref_slice %arg4[%add3A_28, %dma_wait3A_37] : memref<18432x128xf32, #tpu.memory_space<hbm>> -> memref<288x128xf32, #tpu.memory_space<hbm>>
    %dma_wait3A_39 = arith.constant 0 : i32
    %dma_wait3A_40 = tpu.memref_slice %arg4[%add3A_28, %dma_wait3A_39] : memref<18432x128xf32, #tpu.memory_space<hbm>> -> memref<288x128xf32, #tpu.memory_space<hbm>>
    tpu.wait_dma2 semaphore(%arg11 : memref<!tpu.dma_semaphore, #tpu.memory_space<semaphore_mem>>) src(%arg7 : memref<288x128xf32, #tpu.memory_space<vmem>>) dst(%dma_wait3A_40 : memref<288x128xf32, #tpu.memory_space<hbm>>)
    return
  }
}

module attributes {stable_mosaic.version = 14 : i64} {
  func.func @_head_hi_body(%arg0: i32, %arg1: memref<50x1000x1024xf32, #tpu.memory_space<any>>, %arg2: memref<2x1024x128xf32, #tpu.memory_space<vmem>>, %arg3: memref<1000x64xf32, #tpu.memory_space<vmem>>, %arg4: memref<1000x1xf32, #tpu.memory_space<vmem>>, %arg5: memref<2x1000x1024xf32, #tpu.memory_space<vmem>>) attributes {dimension_semantics = [#tpu.dimension_semantics<arbitrary>], iteration_bounds = array<i64: 16>, scalar_prefetch = 0 : i64, scratch_operands = 0 : i64, tpu.core_type = #tpu.core_type<tc>, window_params = [{}, {transform_indices = @transform_1, window_bounds = array<i64: 2, 1024, 128>}, {pipeline_mode = #tpu.pipeline_mode<synchronous>, transform_indices = @transform_2, window_bounds = array<i64: 1000, 64>}, {pipeline_mode = #tpu.pipeline_mode<synchronous>, transform_indices = @transform_3, window_bounds = array<i64: 1000, 1>}, {transform_indices = @transform_4, window_bounds = array<i64: 2, 1000, 1024>}]} {
    %get3A = arith.constant 0 : index
    %get3A_0 = arith.constant 0 : index
    %get3A_1 = arith.constant 0 : index
    %get3A_2 = vector.load %arg2[%get3A, %get3A_0, %get3A_1] : memref<2x1024x128xf32, #tpu.memory_space<vmem>>, vector<1x1024x128xf32>
    %get3A_3 = vector.shape_cast %get3A_2 : vector<1x1024x128xf32> to vector<1024x128xf32>
    %slice3A = vector.extract_strided_slice %get3A_3 {offsets = [0, 0], sizes = [1024, 64], strides = [1, 1]} : vector<1024x128xf32> to vector<1024x64xf32>
    %get3A_4 = arith.constant 0 : index
    %get3A_5 = arith.constant 0 : index
    %get3A_6 = vector.load %arg3[%get3A_4, %get3A_5] : memref<1000x64xf32, #tpu.memory_space<vmem>>, vector<1000x64xf32>
    %dot_general3A = arith.constant dense<0.000000e+00> : vector<1000x1024xf32>
    %dot_general3A_7 = tpu.matmul %get3A_6, %slice3A, %dot_general3A {dimension_numbers = #tpu.dot_dimension_numbers<[1], [1], [0], [0], [0, 0, 1, 0], [], []>, transpose_lhs_hint = false} : vector<1000x64xf32>, vector<1024x64xf32>, vector<1000x1024xf32> -> vector<1000x1024xf32>
    %get3A_8 = arith.constant 0 : index
    %get3A_9 = arith.constant 0 : index
    %get3A_10 = vector.load %arg4[%get3A_8, %get3A_9] : memref<1000x1xf32, #tpu.memory_space<vmem>>, vector<1000x1xf32>
    %add3A = vector.broadcast %get3A_10 : vector<1000x1xf32> to vector<1000x1024xf32>
    %add3A_11 = arith.addf %dot_general3A_7, %add3A : vector<1000x1024xf32>
    %swap3A = arith.constant 0 : index
    %swap3A_12 = arith.constant 0 : index
    %swap3A_13 = arith.constant 0 : index
    %swap3A_14 = vector.load %arg5[%swap3A, %swap3A_12, %swap3A_13] : memref<2x1000x1024xf32, #tpu.memory_space<vmem>>, vector<1x1000x1024xf32>
    %swap3A_15 = vector.shape_cast %swap3A_14 : vector<1x1000x1024xf32> to vector<1000x1024xf32>
    %swap3A_16 = vector.shape_cast %add3A_11 : vector<1000x1024xf32> to vector<1x1000x1024xf32>
    tpu.vector_store %arg5[%swap3A, %swap3A_12, %swap3A_13], %swap3A_16 {strides = array<i32>} : memref<2x1000x1024xf32, #tpu.memory_space<vmem>>, vector<1x1000x1024xf32>,
    %get3A_17 = arith.constant 1 : index
    %get3A_18 = arith.constant 0 : index
    %get3A_19 = arith.constant 0 : index
    %get3A_20 = vector.load %arg2[%get3A_17, %get3A_18, %get3A_19] : memref<2x1024x128xf32, #tpu.memory_space<vmem>>, vector<1x1024x128xf32>
    %get3A_21 = vector.shape_cast %get3A_20 : vector<1x1024x128xf32> to vector<1024x128xf32>
    %slice3A_22 = vector.extract_strided_slice %get3A_21 {offsets = [0, 0], sizes = [1024, 64], strides = [1, 1]} : vector<1024x128xf32> to vector<1024x64xf32>
    %get3A_23 = arith.constant 0 : index
    %get3A_24 = arith.constant 0 : index
    %get3A_25 = vector.load %arg3[%get3A_23, %get3A_24] : memref<1000x64xf32, #tpu.memory_space<vmem>>, vector<1000x64xf32>
    %dot_general3A_26 = arith.constant dense<0.000000e+00> : vector<1000x1024xf32>
    %dot_general3A_27 = tpu.matmul %get3A_25, %slice3A_22, %dot_general3A_26 {dimension_numbers = #tpu.dot_dimension_numbers<[1], [1], [0], [0], [0, 0, 1, 0], [], []>, transpose_lhs_hint = false} : vector<1000x64xf32>, vector<1024x64xf32>, vector<1000x1024xf32> -> vector<1000x1024xf32>
    %get3A_28 = arith.constant 0 : index
    %get3A_29 = arith.constant 0 : index
    %get3A_30 = vector.load %arg4[%get3A_28, %get3A_29] : memref<1000x1xf32, #tpu.memory_space<vmem>>, vector<1000x1xf32>
    %add3A_31 = vector.broadcast %get3A_30 : vector<1000x1xf32> to vector<1000x1024xf32>
    %add3A_32 = arith.addf %dot_general3A_27, %add3A_31 : vector<1000x1024xf32>
    %swap3A_33 = arith.constant 1 : index
    %swap3A_34 = arith.constant 0 : index
    %swap3A_35 = arith.constant 0 : index
    %swap3A_36 = vector.load %arg5[%swap3A_33, %swap3A_34, %swap3A_35] : memref<2x1000x1024xf32, #tpu.memory_space<vmem>>, vector<1x1000x1024xf32>
    %swap3A_37 = vector.shape_cast %swap3A_36 : vector<1x1000x1024xf32> to vector<1000x1024xf32>
    %swap3A_38 = vector.shape_cast %add3A_32 : vector<1000x1024xf32> to vector<1x1000x1024xf32>
    tpu.vector_store %arg5[%swap3A_33, %swap3A_34, %swap3A_35], %swap3A_38 {strides = array<i32>} : memref<2x1000x1024xf32, #tpu.memory_space<vmem>>, vector<1x1000x1024xf32>,
    return
  }
  func.func @transform_1(%arg0: i32) -> (i32, i32, i32) {
    %c0_i32 = arith.constant 0 : i32
    %c0_i32_0 = arith.constant 0 : i32
    %c0_i32_1 = arith.constant 0 : i32
    return %arg0, %c0_i32, %c0_i32_0 : i32, i32, i32
  }
  func.func @transform_2(%arg0: i32) -> (i32, i32) {
    %c0_i32 = arith.constant 0 : i32
    %c0_i32_0 = arith.constant 0 : i32
    %c0_i32_1 = arith.constant 0 : i32
    return %c0_i32, %c0_i32_0 : i32, i32
  }
  func.func @transform_3(%arg0: i32) -> (i32, i32) {
    %c0_i32 = arith.constant 0 : i32
    %c0_i32_0 = arith.constant 0 : i32
    %c0_i32_1 = arith.constant 0 : i32
    return %c0_i32, %c0_i32_0 : i32, i32
  }
  func.func @transform_4(%arg0: i32) -> (i32, i32, i32) {
    %add3A = arith.constant 9 : i32
    %add3A_0 = arith.addi %arg0, %add3A : i32
    %c0_i32 = arith.constant 0 : i32
    %c0_i32_1 = arith.constant 0 : i32
    %c0_i32_2 = arith.constant 0 : i32
    return %add3A_0, %c0_i32, %c0_i32_1 : i32, i32, i32
  }
}

module attributes {stable_mosaic.version = 14 : i64} {
  func.func @_head_body(%arg0: i32, %arg1: memref<2x1024x128xf32, #tpu.memory_space<vmem>>, %arg2: memref<1000x64xf32, #tpu.memory_space<vmem>>, %arg3: memref<1000x1xf32, #tpu.memory_space<vmem>>, %arg4: memref<2x1000x1024xf32, #tpu.memory_space<vmem>>) attributes {dimension_semantics = [#tpu.dimension_semantics<arbitrary>], iteration_bounds = array<i64: 9>, scalar_prefetch = 0 : i64, scratch_operands = 0 : i64, tpu.core_type = #tpu.core_type<tc>, window_params = [{transform_indices = @transform_0, window_bounds = array<i64: 2, 1024, 128>}, {pipeline_mode = #tpu.pipeline_mode<synchronous>, transform_indices = @transform_1, window_bounds = array<i64: 1000, 64>}, {pipeline_mode = #tpu.pipeline_mode<synchronous>, transform_indices = @transform_2, window_bounds = array<i64: 1000, 1>}, {transform_indices = @transform_3, window_bounds = array<i64: 2, 1000, 1024>}]} {
    %get3A = arith.constant 0 : index
    %get3A_0 = arith.constant 0 : index
    %get3A_1 = arith.constant 0 : index
    %get3A_2 = vector.load %arg1[%get3A, %get3A_0, %get3A_1] : memref<2x1024x128xf32, #tpu.memory_space<vmem>>, vector<1x1024x128xf32>
    %get3A_3 = vector.shape_cast %get3A_2 : vector<1x1024x128xf32> to vector<1024x128xf32>
    %slice3A = vector.extract_strided_slice %get3A_3 {offsets = [0, 0], sizes = [1024, 64], strides = [1, 1]} : vector<1024x128xf32> to vector<1024x64xf32>
    %get3A_4 = arith.constant 0 : index
    %get3A_5 = arith.constant 0 : index
    %get3A_6 = vector.load %arg2[%get3A_4, %get3A_5] : memref<1000x64xf32, #tpu.memory_space<vmem>>, vector<1000x64xf32>
    %dot_general3A = arith.constant dense<0.000000e+00> : vector<1000x1024xf32>
    %dot_general3A_7 = tpu.matmul %get3A_6, %slice3A, %dot_general3A {dimension_numbers = #tpu.dot_dimension_numbers<[1], [1], [0], [0], [0, 0, 1, 0], [], []>, transpose_lhs_hint = false} : vector<1000x64xf32>, vector<1024x64xf32>, vector<1000x1024xf32> -> vector<1000x1024xf32>
    %get3A_8 = arith.constant 0 : index
    %get3A_9 = arith.constant 0 : index
    %get3A_10 = vector.load %arg3[%get3A_8, %get3A_9] : memref<1000x1xf32, #tpu.memory_space<vmem>>, vector<1000x1xf32>
    %add3A = vector.broadcast %get3A_10 : vector<1000x1xf32> to vector<1000x1024xf32>
    %add3A_11 = arith.addf %dot_general3A_7, %add3A : vector<1000x1024xf32>
    %swap3A = arith.constant 0 : index
    %swap3A_12 = arith.constant 0 : index
    %swap3A_13 = arith.constant 0 : index
    %swap3A_14 = vector.load %arg4[%swap3A, %swap3A_12, %swap3A_13] : memref<2x1000x1024xf32, #tpu.memory_space<vmem>>, vector<1x1000x1024xf32>
    %swap3A_15 = vector.shape_cast %swap3A_14 : vector<1x1000x1024xf32> to vector<1000x1024xf32>
    %swap3A_16 = vector.shape_cast %add3A_11 : vector<1000x1024xf32> to vector<1x1000x1024xf32>
    tpu.vector_store %arg4[%swap3A, %swap3A_12, %swap3A_13], %swap3A_16 {strides = array<i32>} : memref<2x1000x1024xf32, #tpu.memory_space<vmem>>, vector<1x1000x1024xf32>,
    %get3A_17 = arith.constant 1 : index
    %get3A_18 = arith.constant 0 : index
    %get3A_19 = arith.constant 0 : index
    %get3A_20 = vector.load %arg1[%get3A_17, %get3A_18, %get3A_19] : memref<2x1024x128xf32, #tpu.memory_space<vmem>>, vector<1x1024x128xf32>
    %get3A_21 = vector.shape_cast %get3A_20 : vector<1x1024x128xf32> to vector<1024x128xf32>
    %slice3A_22 = vector.extract_strided_slice %get3A_21 {offsets = [0, 0], sizes = [1024, 64], strides = [1, 1]} : vector<1024x128xf32> to vector<1024x64xf32>
    %get3A_23 = arith.constant 0 : index
    %get3A_24 = arith.constant 0 : index
    %get3A_25 = vector.load %arg2[%get3A_23, %get3A_24] : memref<1000x64xf32, #tpu.memory_space<vmem>>, vector<1000x64xf32>
    %dot_general3A_26 = arith.constant dense<0.000000e+00> : vector<1000x1024xf32>
    %dot_general3A_27 = tpu.matmul %get3A_25, %slice3A_22, %dot_general3A_26 {dimension_numbers = #tpu.dot_dimension_numbers<[1], [1], [0], [0], [0, 0, 1, 0], [], []>, transpose_lhs_hint = false} : vector<1000x64xf32>, vector<1024x64xf32>, vector<1000x1024xf32> -> vector<1000x1024xf32>
    %get3A_28 = arith.constant 0 : index
    %get3A_29 = arith.constant 0 : index
    %get3A_30 = vector.load %arg3[%get3A_28, %get3A_29] : memref<1000x1xf32, #tpu.memory_space<vmem>>, vector<1000x1xf32>
    %add3A_31 = vector.broadcast %get3A_30 : vector<1000x1xf32> to vector<1000x1024xf32>
    %add3A_32 = arith.addf %dot_general3A_27, %add3A_31 : vector<1000x1024xf32>
    %swap3A_33 = arith.constant 1 : index
    %swap3A_34 = arith.constant 0 : index
    %swap3A_35 = arith.constant 0 : index
    %swap3A_36 = vector.load %arg4[%swap3A_33, %swap3A_34, %swap3A_35] : memref<2x1000x1024xf32, #tpu.memory_space<vmem>>, vector<1x1000x1024xf32>
    %swap3A_37 = vector.shape_cast %swap3A_36 : vector<1x1000x1024xf32> to vector<1000x1024xf32>
    %swap3A_38 = vector.shape_cast %add3A_32 : vector<1000x1024xf32> to vector<1x1000x1024xf32>
    tpu.vector_store %arg4[%swap3A_33, %swap3A_34, %swap3A_35], %swap3A_38 {strides = array<i32>} : memref<2x1000x1024xf32, #tpu.memory_space<vmem>>, vector<1x1000x1024xf32>,
    return
  }
  func.func @transform_0(%arg0: i32) -> (i32, i32, i32) {
    %c0_i32 = arith.constant 0 : i32
    %c0_i32_0 = arith.constant 0 : i32
    %c0_i32_1 = arith.constant 0 : i32
    return %arg0, %c0_i32, %c0_i32_0 : i32, i32, i32
  }
  func.func @transform_1(%arg0: i32) -> (i32, i32) {
    %c0_i32 = arith.constant 0 : i32
    %c0_i32_0 = arith.constant 0 : i32
    %c0_i32_1 = arith.constant 0 : i32
    return %c0_i32, %c0_i32_0 : i32, i32
  }
  func.func @transform_2(%arg0: i32) -> (i32, i32) {
    %c0_i32 = arith.constant 0 : i32
    %c0_i32_0 = arith.constant 0 : i32
    %c0_i32_1 = arith.constant 0 : i32
    return %c0_i32, %c0_i32_0 : i32, i32
  }
  func.func @transform_3(%arg0: i32) -> (i32, i32, i32) {
    %c0_i32 = arith.constant 0 : i32
    %c0_i32_0 = arith.constant 0 : i32
    %c0_i32_1 = arith.constant 0 : i32
    return %arg0, %c0_i32, %c0_i32_0 : i32, i32, i32
  }
}

</mosaic_0001>

<sc_bundles>
// kernel: kernel.6.cloned.1.call-start
scs
__scs_entry_jumppad:
0x0: {  	(pc) =	sbr.rel $0x88, $3  }
0x1: {  	(tag) =	ssettag $0x0;
	lr =	simm.s32 $0x1  }
0x2: {  	[smem:$0x3F9D] =	sst lr;
	_ =	strace $0xD0000000  }
0x3: {  	_ = 	snop  }
0x4: {  	_ = 	snop  }
0x5: {  	_ = 	snop  }
0x6: {  	_ = 	snop  }
0x7: {  	_ = 	snop  }
__scs_overlays_trampoline_lowered:
0x8: {  	[smem:$0x3FAC] =	sst s0  }
0x9: {  	[smem:$0x3FAD] =	sst s1  }
0xa: {  	[smem:$0x3FAE] =	sst s2  }
0xb: {  	[smem:$0x3FAF] =	sst s3  }
0xc: {  	[smem:$0x3FB0] =	sst s4  }
0xd: {  	[smem:$0x3FB1] =	sst s5  }
0xe: {  	[smem:$0x3FB2] =	sst s6  }
0xf: {  	[smem:$0x3FB3] =	sst s7  }
0x10: {  	[smem:$0x3FB4] =	sst s8  }
0x11: {  	[smem:$0x3FB5] =	sst s9;
	s0 =	simm.s32 @!p0 $0x0  }
0x12: {  	s1 =	sld [smem:$0x3F9B];
	s0 =	simm.s32 @p0 $0x1  }
0x13: {  	[smem:$0x3FB6] =	sst s0;
	s0 =	simm.s32 @!p1 $0x0  }
0x14: {  	s2 =	sld [smem:$0x3F9A];
	s0 =	simm.s32 @p1 $0x1  }
0x15: {  	[smem:$0x3FB7] =	sst s0;
	s0 =	simm.s32 @!p2 $0x0  }
0x16: {  	s3 =	sld [smem:$0x3FDB];
	s0 =	simm.s32 @p2 $0x1  }
0x17: {  	s4 =	simm.s32 $0x1BF5;
	[smem:$0x3FB9] =	sst s0  }
0x18: {  	s0 =	sld [smem:$0x3F9C];
	_ =	swait.ge [sflag:s4], $0x0  }
0x19: {  	s7 =	sld [smem:$0x3F9D]  }
0x1a: {  	s8 =	sadd.s32 $0xFFFFE003, lr  }
0x1b: {  	s9 =	sadd.s32 $0xFFFFFEF7, lr;
	s5 =	simm.s32 $0xFFFFFFFF;
	p2 =	slt.u32 s8, $0xFFFFF086  }
0x1c: {  	p1 =	slt.u32 s9, $0xF7A;
	s5 =	simm.s32 @!p2 $0x0  }
0x1d: {  	s5 =	simm.s32 @p1 $0x1;
	p0 =	seq.s32 s7, s2  }
0x1e: {  	s7 =	smul.u32 @!p0 $0xF7A, s2;
	p2 =	seq.s32 @!p0 s5, $0x0  }
0x1f: {  	s9 =	smul.u32 $0xF7A, s1;
	s8 =	simm.s32 @!p0 $0x1BF5;
	p2 =	por !p2, p0  }
0x20: {  	[sflag:s8] =	ssyncset.s32 @!p0 $0xFFFFF086;
	s6 =	sadd.s32 @!p0 s3, s7;
	s7 =	simm.s32 @!p0 $0x108  }
0x21: {  	s3 =	sadd.s32 s3, s9;
	s6 =	sadd.s32 @!p0 $0x88, s6;
	s7 =	simm.s32 @p2 $0x1082  }
0x22: {  	[simem:s7], [sflag:s8] =	dma.local @!p0 [hbm:s6], $0xF7A  }
0x23: {  	s9 =	sor.u32 $0xD0000000, s2;
	s6 =	simm.s32 $0x108;
	_ =	swait.ge @!p0 [sflag:s8], $0x0  }
0x24: {  	s3 =	sadd.s32 $0x88, s3;
	s6 =	simm.s32 @!p1 $0x1082;
	[sflag:s4] =	ssyncset.s32 $0xFFFFF086  }
0x25: {  	[simem:s6], [sflag:s4] =	dma.local [hbm:s3], $0xF7A  }
0x26: {  	[smem:$0x3F9D] =	sst s1;
	(tag) =	ssettag s2;
	_ =	strace s9  }
0x27: {  	s1 =	sld [smem:$0x3FAD]  }
0x28: {  	s2 =	sld [smem:$0x3FAE]  }
0x29: {  	s4 =	sld [smem:$0x3FB0]  }
0x2a: {  	p0 =	seq.s32 s5, $0x0;
	s5 =	sld [smem:$0x3FB1]  }
0x2b: {  	s6 =	sld [smem:$0x3FB2]  }
0x2c: {  	s7 =	sld [smem:$0x3FB3]  }
0x2d: {  	s3 =	simm.s32 $0x108;
	s8 =	sld [smem:$0x3FB4]  }
0x2e: {  	s3 =	simm.s32 @!p0 $0x1082;
	s9 =	sld [smem:$0x3FB5]  }
0x2f: {  	lr =	sadd.s32 s0, s3;
	s0 =	sld [smem:$0x3FAC]  }
0x30: {  	s3 =	sld [smem:$0x3FAF]  }
0x31: {  	[smem:$0x3FB8] =	sst s10  }
0x32: {  	s10 =	sld [smem:$0x3FB6];
	_ =	sdelay $0x3  }
0x33: {  	p0 =	seq.s32 s10, $0x1;
	s10 =	sld [smem:$0x3FB8];
	_ =	sdelay $0x3  }
0x34: {  	[smem:$0x3FB8] =	sst s10  }
0x35: {  	s10 =	sld [smem:$0x3FB7];
	_ =	sdelay $0x3  }
0x36: {  	p1 =	seq.s32 s10, $0x1;
	s10 =	sld [smem:$0x3FB8];
	_ =	sdelay $0x3  }
0x37: {  	[smem:$0x3FB8] =	sst s10  }
0x38: {  	s10 =	sld [smem:$0x3FB9]  }
0x39: {  	_ = 	snop;
	(pc) =	sbr.ind lr, $3  }
0x3a: {  	_ = 	snop  }
0x3b: {  	_ = 	snop  }
0x3c: {  	p2 =	seq.s32 s10, $0x1;
	s10 =	sld [smem:$0x3FB8]  }
0x3d: {  	_ =	shalt  }
0x3e: {  	_ =	shalt  }
0x3f: {  	_ =	shalt  }
0x40: {  	_ =	shalt  }
0x41: {  	_ =	shalt  }
0x42: {  	_ =	shalt  }
0x43: {  	_ =	shalt  }
0x44: {  	_ =	shalt  }
0x45: {  	_ =	shalt  }
0x46: {  	_ =	shalt  }
0x47: {  	_ =	shalt  }
0x48: {  	_ =	shalt  }
0x49: {  	_ =	shalt  }
0x4a: {  	_ =	shalt  }
0x4b: {  	_ =	shalt  }
0x4c: {  	_ =	shalt  }
0x4d: {  	_ =	shalt  }
0x4e: {  	_ =	shalt  }
0x4f: {  	_ =	shalt  }
0x50: {  	_ =	shalt  }
0x51: {  	_ =	shalt  }
0x52: {  	_ =	shalt  }
0x53: {  	_ =	shalt  }
0x54: {  	_ =	shalt  }
0x55: {  	_ =	shalt  }
0x56: {  	_ =	shalt  }
0x57: {  	_ =	shalt  }
0x58: {  	_ =	shalt  }
0x59: {  	_ =	shalt  }
0x5a: {  	_ =	shalt  }
0x5b: {  	_ =	shalt  }
0x5c: {  	_ =	shalt  }
0x5d: {  	_ =	shalt  }
0x5e: {  	_ =	shalt  }
0x5f: {  	_ =	shalt  }
0x60: {  	_ =	shalt  }
0x61: {  	_ =	shalt  }
0x62: {  	_ =	shalt  }
0x63: {  	_ =	shalt  }
0x64: {  	_ =	shalt  }
0x65: {  	_ =	shalt  }
0x66: {  	_ =	shalt  }
0x67: {  	_ =	shalt  }
0x68: {  	_ =	shalt  }
0x69: {  	_ =	shalt  }
0x6a: {  	_ =	shalt  }
0x6b: {  	_ =	shalt  }
0x6c: {  	_ =	shalt  }
0x6d: {  	_ =	shalt  }
0x6e: {  	_ =	shalt  }
0x6f: {  	_ =	shalt  }
0x70: {  	_ =	shalt  }
0x71: {  	_ =	shalt  }
0x72: {  	_ =	shalt  }
0x73: {  	_ =	shalt  }
0x74: {  	_ =	shalt  }
0x75: {  	_ =	shalt  }
0x76: {  	_ =	shalt  }
0x77: {  	_ =	shalt  }
0x78: {  	_ =	shalt  }
0x79: {  	_ =	shalt  }
0x7a: {  	_ =	shalt  }
0x7b: {  	_ =	shalt  }
0x7c: {  	_ =	shalt  }
0x7d: {  	_ =	shalt  }
0x7e: {  	_ =	shalt  }
0x7f: {  	_ =	shalt  }
0x80: {  	_ =	shalt  }
0x81: {  	_ =	shalt  }
0x82: {  	_ =	shalt  }
0x83: {  	_ =	shalt  }
0x84: {  	_ =	shalt  }
0x85: {  	_ =	shalt  }
0x86: {  	_ =	shalt  }
0x87: {  	_ =	shalt  }
.Lfunc_end0:
.L_simem_size_0:
called_computation_lowered:
.L_overlay_start_0:
0x88: {  	s2 =	sld [smem:$0x3FD9]  }
0x89: {  	s3 =	sld [smem:$0x3FFE];
	_ =	sdelay $0x1  }
0x8a: {  	s1 =	srdreg.scid  }
0x8b: {  	s0 =	sand.u32 $0x1, s1  }
0x8c: {  	s17 =	sshll.u32 s0, $0xA;
	s2 =	sadd.s32 s3, s2  }
0x8d: {  	s2 =	sadd.s32 s2, s17  }
0x8e: {  	[smem:$0x3FC4] =	sst s2  }
0x8f: {  	_ = 	snop  }
0x90: {  	s2 =	sld [smem:$0x3FD0];
	(tm) =	ssettm $0x1  }
0x91: {  	s18 =	sld [smem:$0x3FFB];
	_ =	sdelay $0x3  }
0x92: {  	_ =	strace s18  }
0x93: {  	s3 =	sld [smem:$0x3FFC];
	_ =	sdelay $0x3  }
0x94: {  	_ =	strace s3  }
0x95: {  	s3 =	sld [smem:$0x3FFD];
	_ =	sdelay $0x3  }
0x96: {  	_ =	strace s3  }
0x97: {  	_ =	strace $0x8FFFFFFF  }
0x98: {  	s19 =	sld [smem:$0x3FDB];
	_ =	sdelay $0x1  }
0x99: {  	s4 =	simm.s32 $_scs_section_size  }
0x9a: {  	s5 =	simm.s32 $_size__tile_overlayer_lowered;
	s6 =	simm.s32 $_tile_overlayer_lowered  }
0x9b: {  	s22 =	simm.s32 $0x1BFF;
	s21 =	sshll.u32 s6, $0x1;
	s3 =	sadd.s32 s4, s19  }
0x9c: {  	s7 =	simm.s32 $0x0;
	s20 =	sshll.u32 s5, $0x1;
	s5 =	sadd.s32 s21, s3  }
0x9d: {  	[timem:s7], [sflag:s22] =	dma.local [hbm:s5], s20  }
0x9e: {  	_ =	swait.ge [sflag:s22], s20  }
0x9f: {  	s4 =	ssub.s32 $0x0, s20;
	[sflag:s22] =	ssyncset.done $0x0  }
0xa0: {  	[sflag:s22] =	ssyncadd.s32 s4;
	_ =	sdelay $0x1  }
0xa1: {  	s23 =	simm.s32 $0x1B8B  }
0xa2: {  	_ =	swait.ge [sflag:s23], $0x1  }
0xa3: {  	[sflag:s23] =	ssyncset.done $0x0  }
0xa4: {  	s25 =	simm.s32 $0x1B8E;
	s24 =	sld [smem:$0x3FFE];
	[sflag:s23] =	ssyncadd.s32 $0xFFFFFFFF  }
0xa5: {  	s26 =	simm.s32 $execute0_lowered;
	[smem:$0x3FD2] =	sst s25  }
0xa6: {  	s5 =	sshll.u32 s26, $0x1;
	_ =	strace $0x80000046;
	[dreg:$0x1] =	wrdreg $0xFFFFFFFF  }
0xa7: {  	s28 =	simm.s32 $_size_execute0_lowered;
	s3 =	sadd.s32 s3, s5;
	[dreg:$0x0] =	wrdreg $0x0  }
0xa8: {  	s5 =	sshll.u32 s28, $0x1;
	[dreg:$0x2] =	wrdreg s3  }
0xa9: {  	[dreg:$0x3] =	wrdreg s5  }
0xaa: {  	[dreg:$0x4] =	wrdreg $0xC0  }
0xab: {  	_ =	task [dreg:s7], $0x5FFFF  }
0xac: {  	[dreg:$0x1] =	wrdreg $0xFFFFFFFF  }
0xad: {  	[dreg:$0x0] =	wrdreg $0x60  }
0xae: {  	[dreg:$0x2] =	wrdreg s24  }
0xaf: {  	[dreg:$0x3] =	wrdreg s2  }
0xb0: {  	[dreg:$0x4] =	wrdreg $0x9  }
0xb1: {  	_ =	task.clear_ibuf [dreg:s7], $0x5FFFF;
	_ =	strace $0x90000046  }
0xb2: {  	s29 =	simm.s32 $0x9;
	_ =	strace $0x80000048  }
0xb3: {  	_ =	swait.ge [sflag:s29], $0x1  }
0xb4: {  	[sflag:s29] =	ssyncadd.s32 $0xFFFFFFFF  }
0xb5: {  	_ =	strace $0x90000048  }
0xb6: {  	_ =	sfence  }
0xb7: {  	s30 =	sld [smem:$0x0];
	_ =	sdelay $0x2  }
0xb8: {  	s31 =	sshll.u32 s1, $0xD;
	s1 =	sshrl.u32 s1, $0x2  }
0xb9: {  	s3 =	sand.u32 $0x4000, s31;
	s1 =	sadd.s32 s1, s30  }
0xba: {  	s0 =	sor.u32 s3, s0;
	s1 =	sshll.u32 s1, $0x11  }
0xbb: {  	s0 =	sor.u32 s1, s0  }
0xbc: {  	s0 =	sadd.s32 $0x8F2B, s0  }
0xbd: {  	[sflag:s0] =	ssyncadd.remote.s32 $0x1  }
0xbe: {  	_ =	sfence.sel $0xFFFF  }
0xbf: {  	[dreg:$0x0] =	wrdreg $0xFFFFFFFF;
	(pc) =	sbr.abs _section_cstart, $3  }
0xc0: {  	[dreg:$0x1] =	wrdreg $0xFFFFFFFF  }
0xc1: {  	_ =	task.clear_ibuf [dreg:s7], $0x2FFFF;
	_ =	strace $0x9FFFFFFF  }
0xc2: {  	(tm) =	ssettm $0x7FFFFFFF  }
0xc3: {  	_ =	shalt  }
tec
execute0_lowered:
.L_overlay_start_1:
0x0: {  	(tag) =	ssettag $0x1  }
0x1: {  	s1 =	srdreg.scid;
	s0 =	stileid.u32  }
0x2: {  	s12 =	sand.u32 $0x1, s1;
	s29 =	sshll.u32 s0, $0x1  }
0x3: {  	s10 =	sor.u32 s12, s29  }
0x4: {  	s5 =	rddreg [dreg:$0x0];
	s3 =	smul.u32 $0x48, s10  }
0x5: {  	s13 =	rddreg [dreg:$0x1];
	s2 =	simm.s32 $0x0  }
0x6: {  	s4 =	simm.s32 $0x5;
	[smem:$0x7FF] =	sst s2;
	s3 =	sadd.s32 s3, s5  }
0x7: {  	s1 =	rddreg [dreg:$0x2];
	_ =	strace $0x80000047;
	s3 =	sadd.s32 $0xC00, s3  }
0x8: {  	[tilespmem:s2], [sflag:$0x5] =	stream.linear.gather [hbm4b:s3+s2], $0x240, $0x38;
	[tilespmem:$0x12240] =	vst v63  }
0x9: {  	_ =	swait.ge [sflag:s4], $0x240  }
0xa: {  	s6 =	simm.s32 $0x120;
	s7 =	simm.s32 $0x240;
	[sflag:s4] =	ssyncset.done $0x0  }
0xb: {  	s8 =	simm.s32 $0x1;
	s5 =	sadd.s32 $0x1600, s5;
	[sflag:s4] =	ssyncadd.s32 $0xFFFFFDC0  }
0xc: {  	[tilespmem:s7], [sflag:$0x1] =	stream.indirect.gather [hbm4b:s5+s6], $0x80, s2, s6, $0xb8;
	[tilespmem:$0x12240] =	vst v63  }
0xd: {  	s9 =	smul.u32 $0x2400, s10;
	_ =	swait.ge [sflag:s8], $0x9000  }
0xe: {  	s11 =	simm.s32 $0x2;
	s15 =	ssub.s32 $0x2, s12;
	[sflag:s8] =	ssyncset.done $0x0  }
0xf: {  	s14 =	smul.u32 $0x12000, s10;
	s9 =	sadd.s32 s13, s9;
	[sflag:s8] =	ssyncadd.s32 $0xFFFF7000  }
0x10: {  	[hbm4b:s9+s2] =	stream.linear.scatter [tilespmem:s7], [sflag:$0x3], $0x9000, $0x38;
	[tilespmem:$0x12240] =	vst v63  }
0x11: {  	s10 =	simm.s32 $0x9240;
	s31 =	sshrl.u32 s15, $0x1;
	s14 =	sshrl.u32 s14, $0x3  }
0x12: {  	[tilespmem:s10], [sflag:$0x2] =	stream.indirect.gather [hbm4b:s5+s6], $0x80, s6, s6, $0xb8;
	[tilespmem:$0x12240] =	vst v63  }
0x13: {  	s30 =	sadd.s32 s13, s14;
	s14 =	ssub.s32 s15, s31;
	_ =	swait.ge [sflag:s11], $0x9000  }
0x14: {  	s13 =	simm.s32 $0x3;
	s15 =	smax.u32 s14, $0x1;
	[sflag:s11] =	ssyncset.done $0x0  }
0x15: {  	s12 =	sadd.s32 $0x1200, s30;
	p0 =	sne.s32 s15, $0x1;
	[sflag:s11] =	ssyncadd.s32 $0xFFFF7000  }
0x16: {  	[hbm4b:s12+s2] =	stream.linear.scatter [tilespmem:s10], [sflag:$0x4], $0x9000, $0x38;
	[tilespmem:$0x12240] =	vst v63  }
.Ltmp0:
0x17: {  	_ =	swait.ge [sflag:s13], $0x9000;
	(pc) =	sbr.rel @!p0 .LBB2_2-.Ltmp0, $4  }
0x18: {  	[sflag:s13] =	ssyncset.done $0x0  }
0x19: {  	s14 =	simm.s32 $0x4;
	[sflag:s13] =	ssyncadd.s32 $0xFFFF7000  }
0x1a: {  	_ =	swait.ge [sflag:s14], $0x9000  }
0x1b: {  	s15 =	sadd.s32 $0xFFFFFFFF, s15;
	[sflag:s14] =	ssyncset.done $0x0  }
.LBB2_1:
0x1c: {  	p0 =	sne.s32 s15, $0x1;
	s15 =	sadd.s32 $0xFFFFFFFF, s15;
	[sflag:s14] =	ssyncadd.s32 $0xFFFF7000  }
0x1d: {  	[tilespmem:s2], [sflag:$0x5] =	stream.linear.gather [hbm4b:s3+s2], $0x240, $0x38;
	[tilespmem:$0x12240] =	vst v63  }
0x1e: {  	_ =	swait.ge [sflag:s4], $0x240  }
0x1f: {  	[sflag:s4] =	ssyncset.done $0x0  }
0x20: {  	[sflag:s4] =	ssyncadd.s32 $0xFFFFFDC0  }
0x21: {  	[tilespmem:s7], [sflag:$0x1] =	stream.indirect.gather [hbm4b:s5+s6], $0x80, s2, s6, $0xb8;
	[tilespmem:$0x12240] =	vst v63  }
0x22: {  	_ =	swait.ge [sflag:s8], $0x9000  }
0x23: {  	[sflag:s8] =	ssyncset.done $0x0  }
0x24: {  	[sflag:s8] =	ssyncadd.s32 $0xFFFF7000  }
0x25: {  	[hbm4b:s9+s2] =	stream.linear.scatter [tilespmem:s7], [sflag:$0x3], $0x9000, $0x38;
	[tilespmem:$0x12240] =	vst v63  }
0x26: {  	_ = 	snop  }
0x27: {  	[tilespmem:s10], [sflag:$0x2] =	stream.indirect.gather [hbm4b:s5+s6], $0x80, s6, s6, $0xb8;
	[tilespmem:$0x12240] =	vst v63  }
0x28: {  	_ =	swait.ge [sflag:s11], $0x9000  }
0x29: {  	[sflag:s11] =	ssyncset.done $0x0  }
0x2a: {  	[sflag:s11] =	ssyncadd.s32 $0xFFFF7000  }
0x2b: {  	[hbm4b:s12+s2] =	stream.linear.scatter [tilespmem:s10], [sflag:$0x4], $0x9000, $0x38;
	[tilespmem:$0x12240] =	vst v63  }
.Ltmp1:
0x2c: {  	_ =	swait.ge [sflag:s13], $0x9000;
	(pc) =	sbr.rel @p0 .LBB2_1-.Ltmp1, $4  }
0x2d: {  	[sflag:s13] =	ssyncset.done $0x0  }
0x2e: {  	[sflag:s13] =	ssyncadd.s32 $0xFFFF7000  }
0x2f: {  	_ =	swait.ge [sflag:s14], $0x9000  }
0x30: {  	[sflag:s14] =	ssyncset.done $0x0  }
.LBB2_2:
0x31: {  	[sflag:s14] =	ssyncadd.s32 $0xFFFF7000  }
0x32: {  	_ =	sfence.sel $0x180000  }
0x33: {  	[bflag:$0x0] =	sbarrier.arrive $0xFFFF  }
0x34: {  	p0 =	sne.s32 s0, $0x0;
	_ =	strace $0x90000047  }
0x35: {  	s0 =	sadd.s32 @!p0 $0x100000, s1;
	[bflag:$0x2] =	sbarrier.arrive $0xFFFF  }
0x36: {  	[sflag:s0] =	ssyncadd.tile.s32 @!p0 $0x1;
	_ =	shalt  }
.Lfunc_end2:
_tile_overlayer_lowered:
.L_overlay_start_2:
0x37: {  	(tag) =	ssettag $0x2  }
0x38: {  	s0 =	rddreg [dreg:$0x0];
	s2 =	stileid.u32  }
0x39: {  	s1 =	rddreg [dreg:$0x1];
	p0 =	sne.s32 s2, $0x0  }
0x3a: {  	s3 =	rddreg [dreg:$0x2];
	[bflag:$0x3] =	sbarrier.arrive $0xFFFF;
	s2 =	simm.s32 @!p0 $0x1C05  }
0x3b: {  	[timem:s3], [sflag:s2] =	dma.local @!p0 [hbm:s0], s1  }
0x3c: {  	s0 =	simm.s32 @!p0 $0x5  }
0x3d: {  	_ =	swait.ge @!p0 [sflag:s0], s1  }
0x3e: {  	s1 =	ssub.s32 @!p0 $0x0, s1;
	[sflag:s0] =	ssyncset.done @!p0 $0x0  }
0x3f: {  	[sflag:s0] =	ssyncadd.s32 @!p0 s1  }
0x40: {  	[bflag:$0x3] =	sbarrier.arrive $0xFFFF  }
0x41: {  	_ =	shalt  }

// kernel: kernel.9.cloned.1.call-start
scs
__scs_entry_jumppad:
0x0: {  	(pc) =	sbr.rel $0x88, $3  }
0x1: {  	(tag) =	ssettag $0x0;
	lr =	simm.s32 $0x1  }
0x2: {  	[smem:$0x3F9D] =	sst lr;
	_ =	strace $0xD0000000  }
0x3: {  	_ = 	snop  }
0x4: {  	_ = 	snop  }
0x5: {  	_ = 	snop  }
0x6: {  	_ = 	snop  }
0x7: {  	_ = 	snop  }
__scs_overlays_trampoline_lowered:
0x8: {  	[smem:$0x3FAC] =	sst s0  }
0x9: {  	[smem:$0x3FAD] =	sst s1  }
0xa: {  	[smem:$0x3FAE] =	sst s2  }
0xb: {  	[smem:$0x3FAF] =	sst s3  }
0xc: {  	[smem:$0x3FB0] =	sst s4  }
0xd: {  	[smem:$0x3FB1] =	sst s5  }
0xe: {  	[smem:$0x3FB2] =	sst s6  }
0xf: {  	[smem:$0x3FB3] =	sst s7  }
0x10: {  	[smem:$0x3FB4] =	sst s8  }
0x11: {  	[smem:$0x3FB5] =	sst s9;
	s0 =	simm.s32 @!p0 $0x0  }
0x12: {  	s1 =	sld [smem:$0x3F9B];
	s0 =	simm.s32 @p0 $0x1  }
0x13: {  	[smem:$0x3FB6] =	sst s0;
	s0 =	simm.s32 @!p1 $0x0  }
0x14: {  	s2 =	sld [smem:$0x3F9A];
	s0 =	simm.s32 @p1 $0x1  }
0x15: {  	[smem:$0x3FB7] =	sst s0;
	s0 =	simm.s32 @!p2 $0x0  }
0x16: {  	s3 =	sld [smem:$0x3FDB];
	s0 =	simm.s32 @p2 $0x1  }
0x17: {  	s4 =	simm.s32 $0x1BF5;
	[smem:$0x3FB9] =	sst s0  }
0x18: {  	s0 =	sld [smem:$0x3F9C];
	_ =	swait.ge [sflag:s4], $0x0  }
0x19: {  	s7 =	sld [smem:$0x3F9D]  }
0x1a: {  	s8 =	sadd.s32 $0xFFFFE003, lr  }
0x1b: {  	s9 =	sadd.s32 $0xFFFFFEF7, lr;
	s5 =	simm.s32 $0xFFFFFFFF;
	p2 =	slt.u32 s8, $0xFFFFF086  }
0x1c: {  	p1 =	slt.u32 s9, $0xF7A;
	s5 =	simm.s32 @!p2 $0x0  }
0x1d: {  	s5 =	simm.s32 @p1 $0x1;
	p0 =	seq.s32 s7, s2  }
0x1e: {  	s7 =	smul.u32 @!p0 $0xF7A, s2;
	p2 =	seq.s32 @!p0 s5, $0x0  }
0x1f: {  	s9 =	smul.u32 $0xF7A, s1;
	s8 =	simm.s32 @!p0 $0x1BF5;
	p2 =	por !p2, p0  }
0x20: {  	[sflag:s8] =	ssyncset.s32 @!p0 $0xFFFFF086;
	s6 =	sadd.s32 @!p0 s3, s7;
	s7 =	simm.s32 @!p0 $0x108  }
0x21: {  	s3 =	sadd.s32 s3, s9;
	s6 =	sadd.s32 @!p0 $0x88, s6;
	s7 =	simm.s32 @p2 $0x1082  }
0x22: {  	[simem:s7], [sflag:s8] =	dma.local @!p0 [hbm:s6], $0xF7A  }
0x23: {  	s9 =	sor.u32 $0xD0000000, s2;
	s6 =	simm.s32 $0x108;
	_ =	swait.ge @!p0 [sflag:s8], $0x0  }
0x24: {  	s3 =	sadd.s32 $0x88, s3;
	s6 =	simm.s32 @!p1 $0x1082;
	[sflag:s4] =	ssyncset.s32 $0xFFFFF086  }
0x25: {  	[simem:s6], [sflag:s4] =	dma.local [hbm:s3], $0xF7A  }
0x26: {  	[smem:$0x3F9D] =	sst s1;
	(tag) =	ssettag s2;
	_ =	strace s9  }
0x27: {  	s1 =	sld [smem:$0x3FAD]  }
0x28: {  	s2 =	sld [smem:$0x3FAE]  }
0x29: {  	s4 =	sld [smem:$0x3FB0]  }
0x2a: {  	p0 =	seq.s32 s5, $0x0;
	s5 =	sld [smem:$0x3FB1]  }
0x2b: {  	s6 =	sld [smem:$0x3FB2]  }
0x2c: {  	s7 =	sld [smem:$0x3FB3]  }
0x2d: {  	s3 =	simm.s32 $0x108;
	s8 =	sld [smem:$0x3FB4]  }
0x2e: {  	s3 =	simm.s32 @!p0 $0x1082;
	s9 =	sld [smem:$0x3FB5]  }
0x2f: {  	lr =	sadd.s32 s0, s3;
	s0 =	sld [smem:$0x3FAC]  }
0x30: {  	s3 =	sld [smem:$0x3FAF]  }
0x31: {  	[smem:$0x3FB8] =	sst s10  }
0x32: {  	s10 =	sld [smem:$0x3FB6];
	_ =	sdelay $0x3  }
0x33: {  	p0 =	seq.s32 s10, $0x1;
	s10 =	sld [smem:$0x3FB8];
	_ =	sdelay $0x3  }
0x34: {  	[smem:$0x3FB8] =	sst s10  }
0x35: {  	s10 =	sld [smem:$0x3FB7];
	_ =	sdelay $0x3  }
0x36: {  	p1 =	seq.s32 s10, $0x1;
	s10 =	sld [smem:$0x3FB8];
	_ =	sdelay $0x3  }
0x37: {  	[smem:$0x3FB8] =	sst s10  }
0x38: {  	s10 =	sld [smem:$0x3FB9]  }
0x39: {  	_ = 	snop;
	(pc) =	sbr.ind lr, $3  }
0x3a: {  	_ = 	snop  }
0x3b: {  	_ = 	snop  }
0x3c: {  	p2 =	seq.s32 s10, $0x1;
	s10 =	sld [smem:$0x3FB8]  }
0x3d: {  	_ =	shalt  }
0x3e: {  	_ =	shalt  }
0x3f: {  	_ =	shalt  }
0x40: {  	_ =	shalt  }
0x41: {  	_ =	shalt  }
0x42: {  	_ =	shalt  }
0x43: {  	_ =	shalt  }
0x44: {  	_ =	shalt  }
0x45: {  	_ =	shalt  }
0x46: {  	_ =	shalt  }
0x47: {  	_ =	shalt  }
0x48: {  	_ =	shalt  }
0x49: {  	_ =	shalt  }
0x4a: {  	_ =	shalt  }
0x4b: {  	_ =	shalt  }
0x4c: {  	_ =	shalt  }
0x4d: {  	_ =	shalt  }
0x4e: {  	_ =	shalt  }
0x4f: {  	_ =	shalt  }
0x50: {  	_ =	shalt  }
0x51: {  	_ =	shalt  }
0x52: {  	_ =	shalt  }
0x53: {  	_ =	shalt  }
0x54: {  	_ =	shalt  }
0x55: {  	_ =	shalt  }
0x56: {  	_ =	shalt  }
0x57: {  	_ =	shalt  }
0x58: {  	_ =	shalt  }
0x59: {  	_ =	shalt  }
0x5a: {  	_ =	shalt  }
0x5b: {  	_ =	shalt  }
0x5c: {  	_ =	shalt  }
0x5d: {  	_ =	shalt  }
0x5e: {  	_ =	shalt  }
0x5f: {  	_ =	shalt  }
0x60: {  	_ =	shalt  }
0x61: {  	_ =	shalt  }
0x62: {  	_ =	shalt  }
0x63: {  	_ =	shalt  }
0x64: {  	_ =	shalt  }
0x65: {  	_ =	shalt  }
0x66: {  	_ =	shalt  }
0x67: {  	_ =	shalt  }
0x68: {  	_ =	shalt  }
0x69: {  	_ =	shalt  }
0x6a: {  	_ =	shalt  }
0x6b: {  	_ =	shalt  }
0x6c: {  	_ =	shalt  }
0x6d: {  	_ =	shalt  }
0x6e: {  	_ =	shalt  }
0x6f: {  	_ =	shalt  }
0x70: {  	_ =	shalt  }
0x71: {  	_ =	shalt  }
0x72: {  	_ =	shalt  }
0x73: {  	_ =	shalt  }
0x74: {  	_ =	shalt  }
0x75: {  	_ =	shalt  }
0x76: {  	_ =	shalt  }
0x77: {  	_ =	shalt  }
0x78: {  	_ =	shalt  }
0x79: {  	_ =	shalt  }
0x7a: {  	_ =	shalt  }
0x7b: {  	_ =	shalt  }
0x7c: {  	_ =	shalt  }
0x7d: {  	_ =	shalt  }
0x7e: {  	_ =	shalt  }
0x7f: {  	_ =	shalt  }
0x80: {  	_ =	shalt  }
0x81: {  	_ =	shalt  }
0x82: {  	_ =	shalt  }
0x83: {  	_ =	shalt  }
0x84: {  	_ =	shalt  }
0x85: {  	_ =	shalt  }
0x86: {  	_ =	shalt  }
0x87: {  	_ =	shalt  }
.Lfunc_end0:
.L_simem_size_0:
called_computation.1_lowered:
.L_overlay_start_0:
0x88: {  	s2 =	sld [smem:$0x3FD9]  }
0x89: {  	s3 =	sld [smem:$0x3FFE];
	_ =	sdelay $0x1  }
0x8a: {  	s1 =	srdreg.scid  }
0x8b: {  	s0 =	sand.u32 $0x1, s1  }
0x8c: {  	s17 =	sshll.u32 s0, $0xA;
	s2 =	sadd.s32 s3, s2  }
0x8d: {  	s2 =	sadd.s32 s2, s17  }
0x8e: {  	[smem:$0x3FC4] =	sst s2  }
0x8f: {  	_ = 	snop  }
0x90: {  	(tm) =	ssettm $0x1  }
0x91: {  	s18 =	sld [smem:$0x3FFB];
	_ =	sdelay $0x3  }
0x92: {  	_ =	strace s18  }
0x93: {  	s2 =	sld [smem:$0x3FFC];
	_ =	sdelay $0x3  }
0x94: {  	_ =	strace s2  }
0x95: {  	s2 =	sld [smem:$0x3FFD];
	_ =	sdelay $0x3  }
0x96: {  	_ =	strace s2  }
0x97: {  	_ =	strace $0x8FFFFFFF  }
0x98: {  	s19 =	sld [smem:$0x3FDB];
	_ =	sdelay $0x1  }
0x99: {  	s20 =	simm.s32 $_scs_section_size  }
0x9a: {  	s4 =	simm.s32 $_size__tile_overlayer_lowered;
	s5 =	simm.s32 $_tile_overlayer_lowered  }
0x9b: {  	s6 =	simm.s32 $0x1BFF;
	s21 =	sshll.u32 s5, $0x1;
	s3 =	sadd.s32 s20, s19  }
0x9c: {  	s22 =	simm.s32 $0x0;
	s4 =	sshll.u32 s4, $0x1;
	s5 =	sadd.s32 s21, s3  }
0x9d: {  	[timem:s22], [sflag:s6] =	dma.local [hbm:s5], s4  }
0x9e: {  	_ =	swait.ge [sflag:s6], s4  }
0x9f: {  	s4 =	ssub.s32 $0x0, s4;
	[sflag:s6] =	ssyncset.done $0x0  }
0xa0: {  	[sflag:s6] =	ssyncadd.s32 s4;
	_ =	sdelay $0x1  }
0xa1: {  	s23 =	simm.s32 $0x1B8B  }
0xa2: {  	_ =	swait.ge [sflag:s23], $0x1  }
0xa3: {  	[sflag:s23] =	ssyncset.done $0x0  }
0xa4: {  	[sflag:s23] =	ssyncadd.s32 $0xFFFFFFFF  }
0xa5: {  	s4 =	sld [smem:$0x0]  }
0xa6: {  	s5 =	sand.u32 $0xFFFFFFFE, s1  }
0xa7: {  	p0 =	sne.s32 s1, s5  }
0xa8: {  	s5 =	sshll.u32 @p0 s5, $0xE  }
0xa9: {  	s5 =	sadd.s32 @p0 $0x11B8D, s5;
	s6 =	sshll.u32 @p0 s4, $0x11  }
0xaa: {  	s5 =	sor.u32 @p0 s6, s5  }
0xab: {  	[sflag:s5] =	ssyncadd.remote.s32 @p0 $0x1;
	_ =	sdelay $0x1  }
0xac: {  	s5 =	simm.s32 @p0 $0x1B8D  }
0xad: {  	_ =	swait.eq @p0 [sflag:s5], $0x1  }
0xae: {  	[sflag:s5] =	ssyncadd.s32 @p0 $0xFFFFFFFF  }
0xaf: {  	s6 =	sshll.u32 @!p0 s1, $0xE  }
0xb0: {  	s6 =	sor.u32 @!p0 $0x4000, s6;
	s5 =	simm.s32 @!p0 $0x1B8D  }
0xb1: {  	s4 =	sshll.u32 @!p0 s4, $0x11;
	s6 =	sadd.s32 @!p0 $0x11B8D, s6;
	_ =	swait.eq @!p0 [sflag:s5], $0x1  }
0xb2: {  	s4 =	sor.u32 @!p0 s4, s6;
	[sflag:s5] =	ssyncadd.s32 @!p0 $0xFFFFFFFF  }
0xb3: {  	s25 =	simm.s32 $0x1B8E;
	s24 =	sld [smem:$0x3FFE];
	[sflag:s4] =	ssyncadd.remote.s32 @!p0 $0x1  }
0xb4: {  	s26 =	simm.s32 $execute0_lowered;
	[smem:$0x3FD2] =	sst s25  }
0xb5: {  	s5 =	sshll.u32 s26, $0x1;
	_ =	strace $0x80000049;
	[dreg:$0x1] =	wrdreg $0xFFFFFFFF  }
0xb6: {  	s28 =	simm.s32 $_size_execute0_lowered;
	s3 =	sadd.s32 s3, s5;
	[dreg:$0x0] =	wrdreg $0x0  }
0xb7: {  	s5 =	sshll.u32 s28, $0x1;
	[dreg:$0x2] =	wrdreg s3  }
0xb8: {  	[dreg:$0x3] =	wrdreg s5  }
0xb9: {  	[dreg:$0x4] =	wrdreg $0xC0  }
0xba: {  	_ =	task [dreg:s22], $0x5FFFF  }
0xbb: {  	[dreg:$0x1] =	wrdreg $0xFFFFFFFF  }
0xbc: {  	[dreg:$0x0] =	wrdreg $0x60  }
0xbd: {  	[dreg:$0x2] =	wrdreg s24  }
0xbe: {  	[dreg:$0x3] =	wrdreg $0xA  }
0xbf: {  	_ =	task.clear_ibuf [dreg:s22], $0x4FFFF;
	_ =	strace $0x90000049  }
0xc0: {  	s29 =	simm.s32 $0xA;
	_ =	strace $0x8000004B  }
0xc1: {  	_ =	swait.ge [sflag:s29], $0x1  }
0xc2: {  	[sflag:s29] =	ssyncadd.s32 $0xFFFFFFFF  }
0xc3: {  	_ =	strace $0x9000004B  }
0xc4: {  	_ =	sfence  }
0xc5: {  	s30 =	sld [smem:$0x0];
	_ =	sdelay $0x2  }
0xc6: {  	s31 =	sshll.u32 s1, $0xD;
	s1 =	sshrl.u32 s1, $0x2  }
0xc7: {  	s4 =	sand.u32 $0x4000, s31;
	s1 =	sadd.s32 s1, s30  }
0xc8: {  	s0 =	sor.u32 s4, s0;
	s1 =	sshll.u32 s1, $0x11  }
0xc9: {  	s0 =	sor.u32 s1, s0  }
0xca: {  	s0 =	sadd.s32 $0x8F2B, s0  }
0xcb: {  	[sflag:s0] =	ssyncadd.remote.s32 $0x1  }
0xcc: {  	_ =	sfence.sel $0xFFFF  }
0xcd: {  	[dreg:$0x0] =	wrdreg $0xFFFFFFFF;
	(pc) =	sbr.abs _section_cstart, $3  }
0xce: {  	[dreg:$0x1] =	wrdreg $0xFFFFFFFF  }
0xcf: {  	_ =	task.clear_ibuf [dreg:s22], $0x2FFFF;
	_ =	strace $0x9FFFFFFF  }
0xd0: {  	(tm) =	ssettm $0x7FFFFFFF  }
0xd1: {  	_ =	shalt  }
tec
execute0_lowered:
.L_overlay_start_1:
0x0: {  	(tag) =	ssettag $0x1  }
0x1: {  	s1 =	srdreg.scid  }
0x2: {  	s0 =	stileid.u32;
	s18 =	sand.u32 $0x1, s1  }
0x3: {  	s30 =	sshll.u32 s0, $0xB;
	s2 =	sshll.u32 s18, $0xA  }
0x4: {  	s10 =	sor.u32 s2, s30  }
0x5: {  	s9 =	rddreg [dreg:$0x0];
	s2 =	simm.s32 $0x0;
	s3 =	sshrl.u32 s10, $0x3  }
0x6: {  	s4 =	simm.s32 $0x5;
	[smem:$0x7FF] =	sst s2;
	s3 =	sadd.s32 s3, s9  }
0x7: {  	s1 =	rddreg [dreg:$0x1];
	_ =	strace $0x8000004A;
	s3 =	sadd.s32 $0x5600, s3  }
0x8: {  	[tilespmem:s2], [sflag:$0x5] =	stream.linear.gather [hbm4b:s3+s2], $0x400, $0x38;
	[tilespmem:$0x10400] =	vst v63  }
0x9: {  	_ =	swait.ge [sflag:s4], $0x400  }
0xa: {  	s6 =	simm.s32 $0x100;
	s7 =	simm.s32 $0x400;
	[sflag:s4] =	ssyncset.done $0x0  }
0xb: {  	s8 =	simm.s32 $0x1;
	s5 =	sadd.s32 $0x1600, s9;
	[sflag:s4] =	ssyncadd.s32 $0xFFFFFC00  }
0xc: {  	[tilespmem:s7], [sflag:$0x1] =	stream.indirect.gather [hbm4b:s5+s6], $0x80, s2, s6, $0xb8;
	[tilespmem:$0x10400] =	vst v63  }
0xd: {  	s10 =	sshll.u32 s10, $0x4;
	_ =	swait.ge [sflag:s8], $0x8000  }
0xe: {  	s19 =	sadd.s32 s10, s9;
	[sflag:s8] =	ssyncset.done $0x0  }
0xf: {  	s9 =	sadd.s32 $0x6600, s19;
	[sflag:s8] =	ssyncadd.s32 $0xFFFF8000  }
0x10: {  	[hbm4b:s9+s2] =	stream.linear.scatter [tilespmem:s7], [sflag:$0x3], $0x8000, $0x38;
	[tilespmem:$0x10400] =	vst v63  }
0x11: {  	s11 =	simm.s32 $0x2;
	s10 =	simm.s32 $0x8400  }
0x12: {  	[tilespmem:s10], [sflag:$0x2] =	stream.indirect.gather [hbm4b:s5+s6], $0x80, s6, s6, $0xb8;
	[tilespmem:$0x10400] =	vst v63  }
0x13: {  	_ =	swait.ge [sflag:s11], $0x8000  }
0x14: {  	[sflag:s11] =	ssyncset.done $0x0  }
0x15: {  	s13 =	simm.s32 $0x3;
	s12 =	sadd.s32 $0x7600, s19;
	[sflag:s11] =	ssyncadd.s32 $0xFFFF8000  }
0x16: {  	[hbm4b:s12+s2] =	stream.linear.scatter [tilespmem:s10], [sflag:$0x4], $0x8000, $0x38;
	[tilespmem:$0x10400] =	vst v63  }
0x17: {  	_ =	swait.ge [sflag:s13], $0x8000  }
0x18: {  	[sflag:s13] =	ssyncset.done $0x0  }
0x19: {  	s14 =	simm.s32 $0x200;
	[sflag:s13] =	ssyncadd.s32 $0xFFFF8000  }
0x1a: {  	[tilespmem:s7], [sflag:$0x1] =	stream.indirect.gather [hbm4b:s5+s6], $0x80, s14, s6, $0xb8;
	[tilespmem:$0x10400] =	vst v63  }
0x1b: {  	_ =	swait.ge [sflag:s8], $0x8000  }
0x1c: {  	[sflag:s8] =	ssyncset.done $0x0  }
0x1d: {  	s15 =	simm.s32 $0x4;
	s16 =	sadd.s32 $0x8600, s19;
	[sflag:s8] =	ssyncadd.s32 $0xFFFF8000  }
0x1e: {  	[hbm4b:s16+s2] =	stream.linear.scatter [tilespmem:s7], [sflag:$0x3], $0x8000, $0x38;
	[tilespmem:$0x10400] =	vst v63  }
0x1f: {  	_ =	swait.ge [sflag:s15], $0x8000  }
0x20: {  	s20 =	ssub.s32 $0x2, s18;
	[sflag:s15] =	ssyncset.done $0x0  }
0x21: {  	s17 =	simm.s32 $0x300;
	s31 =	sshrl.u32 s20, $0x1;
	[sflag:s15] =	ssyncadd.s32 $0xFFFF8000  }
0x22: {  	[tilespmem:s10], [sflag:$0x2] =	stream.indirect.gather [hbm4b:s5+s6], $0x80, s17, s6, $0xb8;
	[tilespmem:$0x10400] =	vst v63  }
0x23: {  	s18 =	sadd.s32 $0x9600, s19;
	s19 =	ssub.s32 s20, s31;
	_ =	swait.ge [sflag:s11], $0x8000  }
0x24: {  	s19 =	smax.u32 s19, $0x1;
	[sflag:s11] =	ssyncset.done $0x0  }
0x25: {  	p0 =	sne.s32 s19, $0x1;
	[sflag:s11] =	ssyncadd.s32 $0xFFFF8000  }
0x26: {  	[hbm4b:s18+s2] =	stream.linear.scatter [tilespmem:s10], [sflag:$0x4], $0x8000, $0x38;
	[tilespmem:$0x10400] =	vst v63  }
.Ltmp0:
0x27: {  	_ =	swait.ge [sflag:s13], $0x8000;
	(pc) =	sbr.rel @!p0 .LBB2_2-.Ltmp0, $4  }
0x28: {  	[sflag:s13] =	ssyncset.done $0x0  }
0x29: {  	[sflag:s13] =	ssyncadd.s32 $0xFFFF8000  }
0x2a: {  	_ =	swait.ge [sflag:s15], $0x8000  }
0x2b: {  	s19 =	sadd.s32 $0xFFFFFFFF, s19;
	[sflag:s15] =	ssyncset.done $0x0  }
.LBB2_1:
0x2c: {  	p0 =	sne.s32 s19, $0x1;
	s19 =	sadd.s32 $0xFFFFFFFF, s19;
	[sflag:s15] =	ssyncadd.s32 $0xFFFF8000  }
0x2d: {  	[tilespmem:s2], [sflag:$0x5] =	stream.linear.gather [hbm4b:s3+s2], $0x400, $0x38;
	[tilespmem:$0x10400] =	vst v63  }
0x2e: {  	_ =	swait.ge [sflag:s4], $0x400  }
0x2f: {  	[sflag:s4] =	ssyncset.done $0x0  }
0x30: {  	[sflag:s4] =	ssyncadd.s32 $0xFFFFFC00  }
0x31: {  	[tilespmem:s7], [sflag:$0x1] =	stream.indirect.gather [hbm4b:s5+s6], $0x80, s2, s6, $0xb8;
	[tilespmem:$0x10400] =	vst v63  }
0x32: {  	_ =	swait.ge [sflag:s8], $0x8000  }
0x33: {  	[sflag:s8] =	ssyncset.done $0x0  }
0x34: {  	[sflag:s8] =	ssyncadd.s32 $0xFFFF8000  }
0x35: {  	[hbm4b:s9+s2] =	stream.linear.scatter [tilespmem:s7], [sflag:$0x3], $0x8000, $0x38;
	[tilespmem:$0x10400] =	vst v63  }
0x36: {  	_ = 	snop  }
0x37: {  	[tilespmem:s10], [sflag:$0x2] =	stream.indirect.gather [hbm4b:s5+s6], $0x80, s6, s6, $0xb8;
	[tilespmem:$0x10400] =	vst v63  }
0x38: {  	_ =	swait.ge [sflag:s11], $0x8000  }
0x39: {  	[sflag:s11] =	ssyncset.done $0x0  }
0x3a: {  	[sflag:s11] =	ssyncadd.s32 $0xFFFF8000  }
0x3b: {  	[hbm4b:s12+s2] =	stream.linear.scatter [tilespmem:s10], [sflag:$0x4], $0x8000, $0x38;
	[tilespmem:$0x10400] =	vst v63  }
0x3c: {  	_ =	swait.ge [sflag:s13], $0x8000  }
0x3d: {  	[sflag:s13] =	ssyncset.done $0x0  }
0x3e: {  	[sflag:s13] =	ssyncadd.s32 $0xFFFF8000  }
0x3f: {  	[tilespmem:s7], [sflag:$0x1] =	stream.indirect.gather [hbm4b:s5+s6], $0x80, s14, s6, $0xb8;
	[tilespmem:$0x10400] =	vst v63  }
0x40: {  	_ =	swait.ge [sflag:s8], $0x8000  }
0x41: {  	[sflag:s8] =	ssyncset.done $0x0  }
0x42: {  	[sflag:s8] =	ssyncadd.s32 $0xFFFF8000  }
0x43: {  	[hbm4b:s16+s2] =	stream.linear.scatter [tilespmem:s7], [sflag:$0x3], $0x8000, $0x38;
	[tilespmem:$0x10400] =	vst v63  }
0x44: {  	_ =	swait.ge [sflag:s15], $0x8000  }
0x45: {  	[sflag:s15] =	ssyncset.done $0x0  }
0x46: {  	[sflag:s15] =	ssyncadd.s32 $0xFFFF8000  }
0x47: {  	[tilespmem:s10], [sflag:$0x2] =	stream.indirect.gather [hbm4b:s5+s6], $0x80, s17, s6, $0xb8;
	[tilespmem:$0x10400] =	vst v63  }
0x48: {  	_ =	swait.ge [sflag:s11], $0x8000  }
0x49: {  	[sflag:s11] =	ssyncset.done $0x0  }
0x4a: {  	[sflag:s11] =	ssyncadd.s32 $0xFFFF8000  }
0x4b: {  	[hbm4b:s18+s2] =	stream.linear.scatter [tilespmem:s10], [sflag:$0x4], $0x8000, $0x38;
	[tilespmem:$0x10400] =	vst v63  }
.Ltmp1:
0x4c: {  	_ =	swait.ge [sflag:s13], $0x8000;
	(pc) =	sbr.rel @p0 .LBB2_1-.Ltmp1, $4  }
0x4d: {  	[sflag:s13] =	ssyncset.done $0x0  }
0x4e: {  	[sflag:s13] =	ssyncadd.s32 $0xFFFF8000  }
0x4f: {  	_ =	swait.ge [sflag:s15], $0x8000  }
0x50: {  	[sflag:s15] =	ssyncset.done $0x0  }
.LBB2_2:
0x51: {  	[sflag:s15] =	ssyncadd.s32 $0xFFFF8000  }
0x52: {  	_ =	sfence.sel $0x180000  }
0x53: {  	[bflag:$0x0] =	sbarrier.arrive $0xFFFF  }
0x54: {  	p0 =	sne.s32 s0, $0x0;
	_ =	strace $0x9000004A  }
0x55: {  	s0 =	sadd.s32 @!p0 $0x100000, s1;
	[bflag:$0x2] =	sbarrier.arrive $0xFFFF  }
0x56: {  	[sflag:s0] =	ssyncadd.tile.s32 @!p0 $0x1;
	_ =	shalt  }
.Lfunc_end2:
_tile_overlayer_lowered:
.L_overlay_start_2:
0x57: {  	(tag) =	ssettag $0x2  }
0x58: {  	s0 =	rddreg [dreg:$0x0];
	s2 =	stileid.u32  }
0x59: {  	s1 =	rddreg [dreg:$0x1];
	p0 =	sne.s32 s2, $0x0  }
0x5a: {  	s3 =	rddreg [dreg:$0x2];
	[bflag:$0x3] =	sbarrier.arrive $0xFFFF;
	s2 =	simm.s32 @!p0 $0x1C05  }
0x5b: {  	[timem:s3], [sflag:s2] =	dma.local @!p0 [hbm:s0], s1  }
0x5c: {  	s0 =	simm.s32 @!p0 $0x5  }
0x5d: {  	_ =	swait.ge @!p0 [sflag:s0], s1  }
0x5e: {  	s1 =	ssub.s32 @!p0 $0x0, s1;
	[sflag:s0] =	ssyncset.done @!p0 $0x0  }
0x5f: {  	[sflag:s0] =	ssyncadd.s32 @!p0 s1  }
0x60: {  	[bflag:$0x3] =	sbarrier.arrive $0xFFFF  }
0x61: {  	_ =	shalt  }

</sc_bundles>
